<compile_context>
chip_gen: v7x
topology: tpu7x:2x2x1
jax: 0.10.2.dev20260603
libtpu: 0.0.44.dev20260713+nightly
codegen_flags: <defaults>
</compile_context>

<pallas_src>
import functools

import jax
import jax.numpy as jnp
from jax import lax
from jax.experimental import pallas as pl
from jax.experimental.pallas import tpu as pltpu
from jax.experimental.pallas import tpu_sc as plsc

_MAX_REL = 32
_NROWS = 2 * _MAX_REL + 1
_D = 128
_CROWS = 2 * _NROWS

_NC = 2
_NS = 16
_NW = _NC * _NS
_L = 16

_K = 400


@functools.partial(jax.jit, static_argnums=(4,))
def _run(off_flat, msk_flat, rel_flat, mw_flat, n_tokens):
    per_w = n_tokens // _NW
    n_chunks = per_w // _K
    mesh = plsc.VectorSubcoreMesh(
        core_axis_name="c", subcore_axis_name="s",
        num_cores=_NC, num_subcores=_NS,
    )

    @functools.partial(
        pl.kernel,
        out_type=jax.ShapeDtypeStruct((n_tokens * _D,), jnp.float32),
        mesh=mesh,
        compiler_params=pltpu.CompilerParams(needs_layout_passes=False),
        scratch_types=[
            pltpu.VMEM((_NROWS * _D,), jnp.float32),
            pltpu.VMEM((2 * _D,), jnp.float32),
            pltpu.VMEM((_CROWS * _D,), jnp.float32),
            pltpu.VMEM((2 * _K,), jnp.int32),
            pltpu.VMEM((2 * _K,), jnp.int32),
            pltpu.VMEM((2 * _K * _D,), jnp.float32),
            pltpu.SemaphoreType.DMA,
            pltpu.SemaphoreType.DMA,
            pltpu.SemaphoreType.DMA,
            pltpu.SemaphoreType.DMA,
        ],
    )
    def k(off_h, msk_h, rel_h, mw_h, out_h,
          rel_v, mw_v, c_v, off_v, msk_v, stage_v,
          isem0, isem1, osem0, osem1):
        wid = lax.axis_index("s") * _NC + lax.axis_index("c")
        pltpu.sync_copy(rel_h, rel_v)
        pltpu.sync_copy(mw_h, mw_v)

        def build(i, _):
            d = i // (_D // _L)
            g = i % (_D // _L)
            r = rel_v[pl.ds(d * _D + g * _L, _L)]
            m0 = mw_v[pl.ds(g * _L, _L)]
            m1 = mw_v[pl.ds(_D + g * _L, _L)]
            c_v[pl.ds(d * 2 * _D + g * _L, _L)] = r + m0
            c_v[pl.ds(d * 2 * _D + _D + g * _L, _L)] = r + m1
            return 0

        lax.fori_loop(0, _NROWS * (_D // _L), build, 0)

        lane = lax.iota(jnp.int32, _L)
        isems = (isem0, isem1)
        osems = (osem0, osem1)
        tok0 = wid * per_w

        def idx_start(ch, b):
            base = tok0 + ch * _K
            pltpu.make_async_copy(
                off_h.at[pl.ds(base, _K)], off_v.at[pl.ds(b * _K, _K)], isems[b]).start()
            pltpu.make_async_copy(
                msk_h.at[pl.ds(base, _K)], msk_v.at[pl.ds(b * _K, _K)], isems[b]).start()

        def idx_wait(ch, b):
            base = tok0 + ch * _K
            pltpu.make_async_copy(
                off_h.at[pl.ds(base, _K)], off_v.at[pl.ds(b * _K, _K)], isems[b]).wait()
            pltpu.make_async_copy(
                msk_h.at[pl.ds(base, _K)], msk_v.at[pl.ds(b * _K, _K)], isems[b]).wait()

        def out_wait(b):
            pltpu.make_async_copy(
                stage_v.at[pl.ds(b * _K * _D, _K * _D)],
                out_h.at[pl.ds(0, _K * _D)], osems[b]).wait()

        idx_start(0, 0)
        idx_start(1, 1)

        def pair(p, _):
            for b in range(2):
                ch = p * 2 + b
                idx_wait(ch, b)

                @pl.when(ch >= 2)
                def _():
                    out_wait(b)

                @plsc.parallel_loop(0, _K // _L, 1)
                def group(t):
                    off = off_v[pl.ds(b * _K + t * _L, _L)]
                    m = msk_v[pl.ds(b * _K + t * _L, _L)]
                    d = jnp.clip(off + _MAX_REL, 0, 2 * _MAX_REL)
                    src = d * (2 * _D) + m * _D
                    dst = (t * _L + lane) * _D + b * _K * _D
                    srcl = src + lane
                    dstl = dst + lane
                    @plsc.parallel_loop(0, 112, 1, unroll=16)
                    def _(c):
                        v = plsc.load_gather(c_v, [srcl + c])
                        plsc.store_scatter(stage_v, [dstl + c], v)
                    @plsc.parallel_loop(112, _D, 1, unroll=16)
                    def _(c):
                        col = (lane + c) & (_D - 1)
                        v = plsc.load_gather(c_v, [src + col])
                        plsc.store_scatter(stage_v, [dst + col], v)

                base = tok0 + ch * _K
                pltpu.make_async_copy(
                    stage_v.at[pl.ds(b * _K * _D, _K * _D)],
                    out_h.at[pl.ds(base * _D, _K * _D)],
                    osems[b]).start()

                @pl.when(ch + 2 < n_chunks)
                def _():
                    idx_start(ch + 2, b)
            return 0

        lax.fori_loop(0, n_chunks // 2, pair, 0)
        out_wait(0)
        out_wait(1)

    return k(off_flat, msk_flat, rel_flat, mw_flat)


def kernel(offset, mask, relpos_W, mask_W):
    n = offset.size
    out = _run(
        offset.reshape(-1),
        mask.reshape(-1),
        relpos_W.reshape(-1),
        mask_W.reshape(-1),
        n,
    )
    return out.reshape(*offset.shape, _D)

# --- scband reference (transcript-rebuilt; emitter-appended) ---
"""Pipeline reference for scband-positional-encodings-11673721110543 (READ-ONLY COPY).

The authoritative reference and input builder live on the scoring server;
editing this copy changes nothing except your own understanding.
"""

import jax, jax.numpy as jnp
import numpy as np

MAX_REL = 32
NUM_EMB = 128

def setup_inputs(seed: int = 0) -> dict:
    key = jax.random.key(seed)
    k1, k2, k3, k4 = jax.random.split(key, 4)
    offset = jax.random.randint(k1, (16384, 200), 0, 65, dtype=jnp.int32)
    mask = jax.random.randint(k2, (16384, 200), 0, 2, dtype=jnp.int32)
    relpos_W = jax.random.normal(k3, (2 * MAX_REL + 1, NUM_EMB), dtype=jnp.float32) * 0.02
    mask_W = jax.random.normal(k4, (2, NUM_EMB), dtype=jnp.float32) * 0.02
    return {"offset": offset, "mask": mask, "relpos_W": relpos_W, "mask_W": mask_W}

def reference(offset, mask, relpos_W, mask_W):
    d = jnp.clip(offset + MAX_REL, 0, 2 * MAX_REL)
    E = jnp.take(relpos_W, d, axis=0) + jnp.take(mask_W, mask, axis=0)
    return E

if __name__ == "__main__":
    import jax
    _d = setup_inputs()
    print(jax.jit(kernel)(*tuple(_d.values())))

</pallas_src>

<mosaic_0001>
#map = affine_map<(d0, d1) -> (0)>
module attributes {stable_mosaic.version = 14 : i64} {
  func.func @k(%arg0: i32, %arg1: i32, %arg2: memref<3276800xi32, #tpu.memory_space<hbm>>, %arg3: memref<3276800xi32, #tpu.memory_space<hbm>>, %arg4: memref<8320xf32, #tpu.memory_space<hbm>>, %arg5: memref<256xf32, #tpu.memory_space<hbm>>, %arg6: memref<419430400xf32, #tpu.memory_space<hbm>>, %arg7: memref<8320xf32, #tpu.memory_space<vmem>>, %arg8: memref<256xf32, #tpu.memory_space<vmem>>, %arg9: memref<16640xf32, #tpu.memory_space<vmem>>, %arg10: memref<800xi32, #tpu.memory_space<vmem>>, %arg11: memref<800xi32, #tpu.memory_space<vmem>>, %arg12: memref<102400xf32, #tpu.memory_space<vmem>>, %arg13: memref<!tpu.dma_semaphore, #tpu.memory_space<semaphore_mem>>, %arg14: memref<!tpu.dma_semaphore, #tpu.memory_space<semaphore_mem>>, %arg15: memref<!tpu.dma_semaphore, #tpu.memory_space<semaphore_mem>>, %arg16: memref<!tpu.dma_semaphore, #tpu.memory_space<semaphore_mem>>) attributes {dimension_semantics = [#tpu.dimension_semantics<core_parallel>, #tpu.dimension_semantics<subcore_parallel>], iteration_bounds = array<i64: 2, 16>, scalar_prefetch = 0 : i64, scratch_operands = 10 : i64, tpu.core_type = #tpu.core_type<sc_vector_subcore>, window_params = [{transform_indices = #map}, {transform_indices = #map}, {transform_indices = #map}, {transform_indices = #map}, {transform_indices = #map}]} {
    %mul3A = arith.constant 2 : i32
    %mul3A_0 = arith.muli %arg1, %mul3A : i32
    %add3A = arith.addi %mul3A_0, %arg0 : i32
    "tpu.region"() ({
      %run_scoped3A = tpu.sem_alloc : memref<!tpu.dma_semaphore, #tpu.memory_space<semaphore_mem>>
      tpu.enqueue_dma source(%arg4 : memref<8320xf32, #tpu.memory_space<hbm>>) target(%arg7 : memref<8320xf32, #tpu.memory_space<vmem>>) target_semaphore(%run_scoped3A : memref<!tpu.dma_semaphore, #tpu.memory_space<semaphore_mem>>)
      tpu.wait_dma2 semaphore(%run_scoped3A : memref<!tpu.dma_semaphore, #tpu.memory_space<semaphore_mem>>) src(%arg4 : memref<8320xf32, #tpu.memory_space<hbm>>) dst(%arg7 : memref<8320xf32, #tpu.memory_space<vmem>>)
      tpu.yield
    }) : () -> ()
    "tpu.region"() ({
      %run_scoped3A = tpu.sem_alloc : memref<!tpu.dma_semaphore, #tpu.memory_space<semaphore_mem>>
      tpu.enqueue_dma source(%arg5 : memref<256xf32, #tpu.memory_space<hbm>>) target(%arg8 : memref<256xf32, #tpu.memory_space<vmem>>) target_semaphore(%run_scoped3A : memref<!tpu.dma_semaphore, #tpu.memory_space<semaphore_mem>>)
      tpu.wait_dma2 semaphore(%run_scoped3A : memref<!tpu.dma_semaphore, #tpu.memory_space<semaphore_mem>>) src(%arg5 : memref<256xf32, #tpu.memory_space<hbm>>) dst(%arg8 : memref<256xf32, #tpu.memory_space<vmem>>)
      tpu.yield
    }) : () -> ()
    %scan3A = arith.constant 0 : i32
    %scan3A_1 = arith.constant 0 : i32
    %scan3A_2 = arith.constant 520 : i32
    %scan3A_3 = arith.addi %scan3A_1, %scan3A_2 : i32
    %scan3A_4 = arith.constant 1 : i32
    %scan3A_5 = scf.for %scan3A_58 = %scan3A_1 to %scan3A_3 step %scan3A_4 iter_args(%scan3A_59 = %scan3A) -> (i32)  : i32 {
      %jit3A = arith.constant 8 : i32
      %div3A = arith.divsi %scan3A_58, %jit3A : i32
      %sign3A = arith.constant 0 : i32
      %sign3A_60 = arith.cmpi sgt, %scan3A_58, %sign3A : i32
      %sign3A_61 = arith.extui %sign3A_60 : i1 to i32
      %sign3A_62 = arith.constant 0 : i32
      %sign3A_63 = arith.cmpi slt, %scan3A_58, %sign3A_62 : i32
      %sign3A_64 = arith.extui %sign3A_63 : i1 to i32
      %sign3A_65 = arith.subi %sign3A_61, %sign3A_64 : i32
      %sign3A_66 = arith.constant 0 : i32
      %sign3A_67 = arith.cmpi sgt, %jit3A, %sign3A_66 : i32
      %sign3A_68 = arith.extui %sign3A_67 : i1 to i32
      %sign3A_69 = arith.constant 0 : i32
      %sign3A_70 = arith.cmpi slt, %jit3A, %sign3A_69 : i32
      %sign3A_71 = arith.extui %sign3A_70 : i1 to i32
      %sign3A_72 = arith.subi %sign3A_68, %sign3A_71 : i32
      %ne3A = arith.cmpi ne, %sign3A_65, %sign3A_72 : i32
      %rem3A = arith.remsi %scan3A_58, %jit3A : i32
      %ne3A_73 = arith.constant 0 : i32
      %ne3A_74 = arith.cmpi ne, %rem3A, %ne3A_73 : i32
      %and3A = arith.andi %ne3A, %ne3A_74 : i1
      %sub3A = arith.constant 1 : i32
      %sub3A_75 = arith.subi %div3A, %sub3A : i32
      %select_n3A = arith.select %and3A, %sub3A_75, %div3A : i32
      %jit3A_76 = arith.constant 8 : i32
      %eq3A = arith.constant 0 : i32
      %eq3A_77 = arith.cmpi eq, %jit3A_76, %eq3A : i32
      %jit3A_78 = arith.constant 1 : i32
      %select_n3A_79 = arith.select %eq3A_77, %jit3A_78, %jit3A_76 : i32
      %rem3A_80 = arith.remsi %scan3A_58, %select_n3A_79 : i32
      %ne3A_81 = arith.constant 0 : i32
      %ne3A_82 = arith.cmpi ne, %rem3A_80, %ne3A_81 : i32
      %lt3A = arith.constant 0 : i32
      %lt3A_83 = arith.cmpi slt, %rem3A_80, %lt3A : i32
      %lt3A_84 = arith.constant 0 : i32
      %lt3A_85 = arith.cmpi slt, %select_n3A_79, %lt3A_84 : i32
      %ne3A_86 = arith.xori %lt3A_83, %lt3A_85 : i1
      %and3A_87 = arith.andi %ne3A_86, %ne3A_82 : i1
      %add3A_88 = arith.addi %rem3A_80, %select_n3A_79 : i32
      %select_n3A_89 = arith.select %and3A_87, %add3A_88, %rem3A_80 : i32
      %mul3A_90 = arith.constant 128 : i32
      %mul3A_91 = arith.muli %select_n3A, %mul3A_90 : i32
      %mul3A_92 = arith.constant 16 : i32
      %mul3A_93 = arith.muli %select_n3A_89, %mul3A_92 : i32
      %add3A_94 = arith.addi %mul3A_91, %mul3A_93 : i32
      %get3A = arith.index_cast %add3A_94 : i32 to index
      %get3A_95 = tpu.vector_load %arg7[%get3A] {strides = array<i32>} : memref<8320xf32, #tpu.memory_space<vmem>>, vector<16xf32>,
      %mul3A_96 = arith.constant 16 : i32
      %mul3A_97 = arith.muli %select_n3A_89, %mul3A_96 : i32
      %get3A_98 = arith.index_cast %mul3A_97 : i32 to index
      %get3A_99 = tpu.vector_load %arg8[%get3A_98] {strides = array<i32>} : memref<256xf32, #tpu.memory_space<vmem>>, vector<16xf32>,
      %mul3A_100 = arith.constant 16 : i32
      %mul3A_101 = arith.muli %select_n3A_89, %mul3A_100 : i32
      %add3A_102 = arith.constant 128 : i32
      %add3A_103 = arith.addi %add3A_102, %mul3A_101 : i32
      %get3A_104 = arith.index_cast %add3A_103 : i32 to index
      %get3A_105 = tpu.vector_load %arg8[%get3A_104] {strides = array<i32>} : memref<256xf32, #tpu.memory_space<vmem>>, vector<16xf32>,
      %add3A_106 = arith.addf %get3A_95, %get3A_99 : vector<16xf32>
      %mul3A_107 = arith.constant 2 : i32
      %mul3A_108 = arith.muli %select_n3A, %mul3A_107 : i32
      %mul3A_109 = arith.constant 128 : i32
      %mul3A_110 = arith.muli %mul3A_108, %mul3A_109 : i32
      %mul3A_111 = arith.constant 16 : i32
      %mul3A_112 = arith.muli %select_n3A_89, %mul3A_111 : i32
      %add3A_113 = arith.addi %mul3A_110, %mul3A_112 : i32
      %swap3A = arith.index_cast %add3A_113 : i32 to index
      %swap3A_114 = tpu.vector_load %arg9[%swap3A] {strides = array<i32>} : memref<16640xf32, #tpu.memory_space<vmem>>, vector<16xf32>,
      tpu.vector_store %arg9[%swap3A], %add3A_106 {strides = array<i32>} : memref<16640xf32, #tpu.memory_space<vmem>>, vector<16xf32>,
      %add3A_115 = arith.addf %get3A_95, %get3A_105 : vector<16xf32>
      %mul3A_116 = arith.constant 2 : i32
      %mul3A_117 = arith.muli %select_n3A, %mul3A_116 : i32
      %mul3A_118 = arith.constant 128 : i32
      %mul3A_119 = arith.muli %mul3A_117, %mul3A_118 : i32
      %add3A_120 = arith.constant 128 : i32
      %add3A_121 = arith.addi %mul3A_119, %add3A_120 : i32
      %mul3A_122 = arith.constant 16 : i32
      %mul3A_123 = arith.muli %select_n3A_89, %mul3A_122 : i32
      %add3A_124 = arith.addi %add3A_121, %mul3A_123 : i32
      %swap3A_125 = arith.index_cast %add3A_124 : i32 to index
      %swap3A_126 = tpu.vector_load %arg9[%swap3A_125] {strides = array<i32>} : memref<16640xf32, #tpu.memory_space<vmem>>, vector<16xf32>,
      tpu.vector_store %arg9[%swap3A_125], %add3A_115 {strides = array<i32>} : memref<16640xf32, #tpu.memory_space<vmem>>, vector<16xf32>,
      %scan3A_127 = arith.constant 0 : i32
      scf.yield %scan3A_127 : i32
    }
    %scan3A_6 = arith.constant 520 : i32
    %iota3A = tpu.iota {dimensions = array<i32: 0>} : vector<16xi32>
    %mul3A_7 = arith.constant 102400 : i32
    %mul3A_8 = arith.muli %add3A, %mul3A_7 : i32
    %add3A_9 = arith.constant 0 : i32
    %add3A_10 = arith.addi %mul3A_8, %add3A_9 : i32
    %dma_start3A = arith.constant 0 : i32
    %dma_start3A_11 = tpu.memref_slice %arg10[%dma_start3A] : memref<800xi32, #tpu.memory_space<vmem>> -> memref<400xi32, #tpu.memory_space<vmem>>
    %dma_start3A_12 = tpu.memref_slice %arg2[%add3A_10] : memref<3276800xi32, #tpu.memory_space<hbm>> -> memref<400xi32, #tpu.memory_space<hbm>>
    %dma_start3A_13 = arith.constant 0 : i32
    %dma_start3A_14 = tpu.memref_slice %arg10[%dma_start3A_13] : memref<800xi32, #tpu.memory_space<vmem>> -> memref<400xi32, #tpu.memory_space<vmem>>
    %dma_start3A_15 = tpu.memref_slice %arg2[%add3A_10] : memref<3276800xi32, #tpu.memory_space<hbm>> -> memref<400xi32, #tpu.memory_space<hbm>>
    tpu.enqueue_dma source(%dma_start3A_15 : memref<400xi32, #tpu.memory_space<hbm>>) target(%dma_start3A_14 : memref<400xi32, #tpu.memory_space<vmem>>) target_semaphore(%arg13 : memref<!tpu.dma_semaphore, #tpu.memory_space<semaphore_mem>>)
    %dma_start3A_16 = arith.constant 0 : i32
    %dma_start3A_17 = tpu.memref_slice %arg11[%dma_start3A_16] : memref<800xi32, #tpu.memory_space<vmem>> -> memref<400xi32, #tpu.memory_space<vmem>>
    %dma_start3A_18 = tpu.memref_slice %arg3[%add3A_10] : memref<3276800xi32, #tpu.memory_space<hbm>> -> memref<400xi32, #tpu.memory_space<hbm>>
    %dma_start3A_19 = arith.constant 0 : i32
    %dma_start3A_20 = tpu.memref_slice %arg11[%dma_start3A_19] : memref<800xi32, #tpu.memory_space<vmem>> -> memref<400xi32, #tpu.memory_space<vmem>>
    %dma_start3A_21 = tpu.memref_slice %arg3[%add3A_10] : memref<3276800xi32, #tpu.memory_space<hbm>> -> memref<400xi32, #tpu.memory_space<hbm>>
    tpu.enqueue_dma source(%dma_start3A_21 : memref<400xi32, #tpu.memory_space<hbm>>) target(%dma_start3A_20 : memref<400xi32, #tpu.memory_space<vmem>>) target_semaphore(%arg13 : memref<!tpu.dma_semaphore, #tpu.memory_space<semaphore_mem>>)
    %add3A_22 = arith.constant 400 : i32
    %add3A_23 = arith.addi %mul3A_8, %add3A_22 : i32
    %dma_start3A_24 = arith.constant 400 : i32
    %dma_start3A_25 = tpu.memref_slice %arg10[%dma_start3A_24] : memref<800xi32, #tpu.memory_space<vmem>> -> memref<400xi32, #tpu.memory_space<vmem>>
    %dma_start3A_26 = tpu.memref_slice %arg2[%add3A_23] : memref<3276800xi32, #tpu.memory_space<hbm>> -> memref<400xi32, #tpu.memory_space<hbm>>
    %dma_start3A_27 = arith.constant 400 : i32
    %dma_start3A_28 = tpu.memref_slice %arg10[%dma_start3A_27] : memref<800xi32, #tpu.memory_space<vmem>> -> memref<400xi32, #tpu.memory_space<vmem>>
    %dma_start3A_29 = tpu.memref_slice %arg2[%add3A_23] : memref<3276800xi32, #tpu.memory_space<hbm>> -> memref<400xi32, #tpu.memory_space<hbm>>
    tpu.enqueue_dma source(%dma_start3A_29 : memref<400xi32, #tpu.memory_space<hbm>>) target(%dma_start3A_28 : memref<400xi32, #tpu.memory_space<vmem>>) target_semaphore(%arg14 : memref<!tpu.dma_semaphore, #tpu.memory_space<semaphore_mem>>)
    %dma_start3A_30 = arith.constant 400 : i32
    %dma_start3A_31 = tpu.memref_slice %arg11[%dma_start3A_30] : memref<800xi32, #tpu.memory_space<vmem>> -> memref<400xi32, #tpu.memory_space<vmem>>
    %dma_start3A_32 = tpu.memref_slice %arg3[%add3A_23] : memref<3276800xi32, #tpu.memory_space<hbm>> -> memref<400xi32, #tpu.memory_space<hbm>>
    %dma_start3A_33 = arith.constant 400 : i32
    %dma_start3A_34 = tpu.memref_slice %arg11[%dma_start3A_33] : memref<800xi32, #tpu.memory_space<vmem>> -> memref<400xi32, #tpu.memory_space<vmem>>
    %dma_start3A_35 = tpu.memref_slice %arg3[%add3A_23] : memref<3276800xi32, #tpu.memory_space<hbm>> -> memref<400xi32, #tpu.memory_space<hbm>>
    tpu.enqueue_dma source(%dma_start3A_35 : memref<400xi32, #tpu.memory_space<hbm>>) target(%dma_start3A_34 : memref<400xi32, #tpu.memory_space<vmem>>) target_semaphore(%arg14 : memref<!tpu.dma_semaphore, #tpu.memory_space<semaphore_mem>>)
    %scan3A_36 = arith.constant 0 : i32
    %scan3A_37 = arith.constant 0 : i32
    %scan3A_38 = arith.constant 128 : i32
    %scan3A_39 = arith.addi %scan3A_37, %scan3A_38 : i32
    %scan3A_40 = arith.constant 1 : i32
    %scan3A_41 = scf.for %scan3A_58 = %scan3A_37 to %scan3A_39 step %scan3A_40 iter_args(%scan3A_59 = %scan3A_36) -> (i32)  : i32 {
      %mul3A_60 = arith.constant 2 : i32
      %mul3A_61 = arith.muli %scan3A_58, %mul3A_60 : i32
      %add3A_62 = arith.constant 0 : i32
      %add3A_63 = arith.addi %mul3A_61, %add3A_62 : i32
      %mul3A_64 = arith.constant 400 : i32
      %mul3A_65 = arith.muli %add3A_63, %mul3A_64 : i32
      %add3A_66 = arith.addi %mul3A_8, %mul3A_65 : i32
      %dma_wait3A_67 = arith.constant 0 : i32
      %dma_wait3A_68 = tpu.memref_slice %arg10[%dma_wait3A_67] : memref<800xi32, #tpu.memory_space<vmem>> -> memref<400xi32, #tpu.memory_space<vmem>>
      %dma_wait3A_69 = tpu.memref_slice %arg2[%add3A_66] : memref<3276800xi32, #tpu.memory_space<hbm>> -> memref<400xi32, #tpu.memory_space<hbm>>
      %dma_wait3A_70 = arith.constant 0 : i32
      %dma_wait3A_71 = tpu.memref_slice %arg10[%dma_wait3A_70] : memref<800xi32, #tpu.memory_space<vmem>> -> memref<400xi32, #tpu.memory_space<vmem>>
      %dma_wait3A_72 = tpu.memref_slice %arg2[%add3A_66] : memref<3276800xi32, #tpu.memory_space<hbm>> -> memref<400xi32, #tpu.memory_space<hbm>>
      tpu.wait_dma2 semaphore(%arg13 : memref<!tpu.dma_semaphore, #tpu.memory_space<semaphore_mem>>) src(%dma_wait3A_72 : memref<400xi32, #tpu.memory_space<hbm>>) dst(%dma_wait3A_71 : memref<400xi32, #tpu.memory_space<vmem>>)
      %dma_wait3A_73 = arith.constant 0 : i32
      %dma_wait3A_74 = tpu.memref_slice %arg11[%dma_wait3A_73] : memref<800xi32, #tpu.memory_space<vmem>> -> memref<400xi32, #tpu.memory_space<vmem>>
      %dma_wait3A_75 = tpu.memref_slice %arg3[%add3A_66] : memref<3276800xi32, #tpu.memory_space<hbm>> -> memref<400xi32, #tpu.memory_space<hbm>>
      %dma_wait3A_76 = arith.constant 0 : i32
      %dma_wait3A_77 = tpu.memref_slice %arg11[%dma_wait3A_76] : memref<800xi32, #tpu.memory_space<vmem>> -> memref<400xi32, #tpu.memory_space<vmem>>
      %dma_wait3A_78 = tpu.memref_slice %arg3[%add3A_66] : memref<3276800xi32, #tpu.memory_space<hbm>> -> memref<400xi32, #tpu.memory_space<hbm>>
      tpu.wait_dma2 semaphore(%arg13 : memref<!tpu.dma_semaphore, #tpu.memory_space<semaphore_mem>>) src(%dma_wait3A_78 : memref<400xi32, #tpu.memory_space<hbm>>) dst(%dma_wait3A_77 : memref<400xi32, #tpu.memory_space<vmem>>)
      %ge3A = arith.constant 2 : i32
      %ge3A_79 = arith.cmpi sge, %add3A_63, %ge3A : i32
      %convert_element_type3A = arith.extui %ge3A_79 : i1 to i32
      %cond3A = arith.constant 0 : i32
      %cond3A_80 = arith.cmpi ne, %convert_element_type3A, %cond3A : i32
      scf.if %cond3A_80 {
        %dma_wait3A_146 = arith.constant 0 : i32
        %dma_wait3A_147 = tpu.memref_slice %arg12[%dma_wait3A_146] : memref<102400xf32, #tpu.memory_space<vmem>> -> memref<51200xf32, #tpu.memory_space<vmem>>
        %dma_wait3A_148 = arith.constant 0 : i32
        %dma_wait3A_149 = tpu.memref_slice %arg6[%dma_wait3A_148] : memref<419430400xf32, #tpu.memory_space<hbm>> -> memref<51200xf32, #tpu.memory_space<hbm>>
        %dma_wait3A_150 = arith.constant 0 : i32
        %dma_wait3A_151 = tpu.memref_slice %arg6[%dma_wait3A_150] : memref<419430400xf32, #tpu.memory_space<hbm>> -> memref<51200xf32, #tpu.memory_space<hbm>>
        %dma_wait3A_152 = arith.constant 0 : i32
        %dma_wait3A_153 = tpu.memref_slice %arg12[%dma_wait3A_152] : memref<102400xf32, #tpu.memory_space<vmem>> -> memref<51200xf32, #tpu.memory_space<vmem>>
        tpu.wait_dma2 semaphore(%arg15 : memref<!tpu.dma_semaphore, #tpu.memory_space<semaphore_mem>>) src(%dma_wait3A_153 : memref<51200xf32, #tpu.memory_space<vmem>>) dst(%dma_wait3A_151 : memref<51200xf32, #tpu.memory_space<hbm>>)
      } else {
      }
      %parallel_loop3A = arith.constant 0 : i32
      %parallel_loop3A_81 = arith.constant 25 : i32
      %parallel_loop3A_82 = arith.constant 1 : i32
      scf.for %parallel_loop3A_146 = %parallel_loop3A to %parallel_loop3A_81 step %parallel_loop3A_82  : i32 {
        %parallel_loop3A_147 = arith.constant 16 : i32
        %parallel_loop3A_148 = arith.muli %parallel_loop3A_146, %parallel_loop3A_147 : i32
        %parallel_loop3A_149 = arith.constant 0 : i32
        %parallel_loop3A_150 = arith.addi %parallel_loop3A_149, %parallel_loop3A_148 : i32
        %parallel_loop3A_151 = arith.index_cast %parallel_loop3A_150 : i32 to index
        %parallel_loop3A_152 = tpu.vector_load %arg10[%parallel_loop3A_151] {strides = array<i32>} : memref<800xi32, #tpu.memory_space<vmem>>, vector<16xi32>,
        %parallel_loop3A_153 = arith.constant 16 : i32
        %parallel_loop3A_154 = arith.muli %parallel_loop3A_146, %parallel_loop3A_153 : i32
        %parallel_loop3A_155 = arith.constant 0 : i32
        %parallel_loop3A_156 = arith.addi %parallel_loop3A_155, %parallel_loop3A_154 : i32
        %parallel_loop3A_157 = arith.index_cast %parallel_loop3A_156 : i32 to index
        %parallel_loop3A_158 = tpu.vector_load %arg11[%parallel_loop3A_157] {strides = array<i32>} : memref<800xi32, #tpu.memory_space<vmem>>, vector<16xi32>,
        %parallel_loop3A_159 = arith.constant 32 : i32
        %parallel_loop3A_160 = vector.broadcast %parallel_loop3A_159 : i32 to vector<16xi32>
        %parallel_loop3A_161 = arith.addi %parallel_loop3A_152, %parallel_loop3A_160 : vector<16xi32>
        %parallel_loop3A_162 = arith.constant 0 : i32
        %parallel_loop3A_163 = arith.constant 64 : i32
        %parallel_loop3A_164 = vector.broadcast %parallel_loop3A_162 : i32 to vector<16xi32>
        %parallel_loop3A_165 = arith.maxsi %parallel_loop3A_164, %parallel_loop3A_161 : vector<16xi32>
        %parallel_loop3A_166 = vector.broadcast %parallel_loop3A_163 : i32 to vector<16xi32>
        %parallel_loop3A_167 = arith.minsi %parallel_loop3A_166, %parallel_loop3A_165 : vector<16xi32>
        %parallel_loop3A_168 = arith.constant 256 : i32
        %parallel_loop3A_169 = vector.broadcast %parallel_loop3A_168 : i32 to vector<16xi32>
        %parallel_loop3A_170 = arith.muli %parallel_loop3A_167, %parallel_loop3A_169 : vector<16xi32>
        %parallel_loop3A_171 = arith.constant 128 : i32
        %parallel_loop3A_172 = vector.broadcast %parallel_loop3A_171 : i32 to vector<16xi32>
        %parallel_loop3A_173 = arith.muli %parallel_loop3A_158, %parallel_loop3A_172 : vector<16xi32>
        %parallel_loop3A_174 = arith.addi %parallel_loop3A_170, %parallel_loop3A_173 : vector<16xi32>
        %parallel_loop3A_175 = arith.constant 16 : i32
        %parallel_loop3A_176 = arith.muli %parallel_loop3A_146, %parallel_loop3A_175 : i32
        %parallel_loop3A_177 = vector.broadcast %parallel_loop3A_176 : i32 to vector<16xi32>
        %parallel_loop3A_178 = arith.addi %parallel_loop3A_177, %iota3A : vector<16xi32>
        %parallel_loop3A_179 = arith.constant 128 : i32
        %parallel_loop3A_180 = vector.broadcast %parallel_loop3A_179 : i32 to vector<16xi32>
        %parallel_loop3A_181 = arith.muli %parallel_loop3A_178, %parallel_loop3A_180 : vector<16xi32>
        %parallel_loop3A_182 = arith.constant 0 : i32
        %parallel_loop3A_183 = vector.broadcast %parallel_loop3A_182 : i32 to vector<16xi32>
        %parallel_loop3A_184 = arith.addi %parallel_loop3A_181, %parallel_loop3A_183 : vector<16xi32>
        %parallel_loop3A_185 = arith.addi %parallel_loop3A_174, %iota3A : vector<16xi32>
        %parallel_loop3A_186 = arith.addi %parallel_loop3A_184, %iota3A : vector<16xi32>
        %parallel_loop3A_187 = arith.constant 0 : i32
        %parallel_loop3A_188 = arith.constant 112 : i32
        %parallel_loop3A_189 = arith.constant 1 : i32
        scf.for %parallel_loop3A_193 = %parallel_loop3A_187 to %parallel_loop3A_188 step %parallel_loop3A_189  : i32 {
          %parallel_loop3A_194 = vector.broadcast %parallel_loop3A_193 : i32 to vector<16xi32>
          %parallel_loop3A_195 = arith.addi %parallel_loop3A_185, %parallel_loop3A_194 : vector<16xi32>
          %parallel_loop3A_196 = tpu.vector_load_idx %arg9[%parallel_loop3A_195] : memref<16640xf32, #tpu.memory_space<vmem>>[vector<16xi32>], vector<16xf32>,
          %parallel_loop3A_197 = vector.broadcast %parallel_loop3A_193 : i32 to vector<16xi32>
          %parallel_loop3A_198 = arith.addi %parallel_loop3A_186, %parallel_loop3A_197 : vector<16xi32>
          tpu.vector_store_idx %arg12[%parallel_loop3A_198], %parallel_loop3A_196 : memref<102400xf32, #tpu.memory_space<vmem>>[vector<16xi32>], vector<16xf32>,
        } {sc.loop_unroll_factor = 16 : i64, sc.parallel_access}
        %parallel_loop3A_190 = arith.constant 112 : i32
        %parallel_loop3A_191 = arith.constant 128 : i32
        %parallel_loop3A_192 = arith.constant 1 : i32
        scf.for %parallel_loop3A_193 = %parallel_loop3A_190 to %parallel_loop3A_191 step %parallel_loop3A_192  : i32 {
          %parallel_loop3A_194 = vector.broadcast %parallel_loop3A_193 : i32 to vector<16xi32>
          %parallel_loop3A_195 = arith.addi %iota3A, %parallel_loop3A_194 : vector<16xi32>
          %parallel_loop3A_196 = arith.constant 127 : i32
          %parallel_loop3A_197 = vector.broadcast %parallel_loop3A_196 : i32 to vector<16xi32>
          %parallel_loop3A_198 = arith.andi %parallel_loop3A_195, %parallel_loop3A_197 : vector<16xi32>
          %parallel_loop3A_199 = arith.addi %parallel_loop3A_174, %parallel_loop3A_198 : vector<16xi32>
          %parallel_loop3A_200 = tpu.vector_load_idx %arg9[%parallel_loop3A_199] : memref<16640xf32, #tpu.memory_space<vmem>>[vector<16xi32>], vector<16xf32>,
          %parallel_loop3A_201 = arith.addi %parallel_loop3A_184, %parallel_loop3A_198 : vector<16xi32>
          tpu.vector_store_idx %arg12[%parallel_loop3A_201], %parallel_loop3A_200 : memref<102400xf32, #tpu.memory_space<vmem>>[vector<16xi32>], vector<16xf32>,
        } {sc.loop_unroll_factor = 16 : i64, sc.parallel_access}
      } {sc.loop_unroll_factor = 1 : i64, sc.parallel_access}
      %mul3A_83 = arith.constant 400 : i32
      %mul3A_84 = arith.muli %add3A_63, %mul3A_83 : i32
      %add3A_85 = arith.addi %mul3A_8, %mul3A_84 : i32
      %mul3A_86 = arith.constant 128 : i32
      %mul3A_87 = arith.muli %add3A_85, %mul3A_86 : i32
      %dma_start3A_88 = arith.constant 0 : i32
      %dma_start3A_89 = tpu.memref_slice %arg12[%dma_start3A_88] : memref<102400xf32, #tpu.memory_space<vmem>> -> memref<51200xf32, #tpu.memory_space<vmem>>
      %dma_start3A_90 = tpu.memref_slice %arg6[%mul3A_87] : memref<419430400xf32, #tpu.memory_space<hbm>> -> memref<51200xf32, #tpu.memory_space<hbm>>
      %dma_start3A_91 = tpu.memref_slice %arg6[%mul3A_87] : memref<419430400xf32, #tpu.memory_space<hbm>> -> memref<51200xf32, #tpu.memory_space<hbm>>
      %dma_start3A_92 = arith.constant 0 : i32
      %dma_start3A_93 = tpu.memref_slice %arg12[%dma_start3A_92] : memref<102400xf32, #tpu.memory_space<vmem>> -> memref<51200xf32, #tpu.memory_space<vmem>>
      tpu.enqueue_dma source(%dma_start3A_93 : memref<51200xf32, #tpu.memory_space<vmem>>) target(%dma_start3A_91 : memref<51200xf32, #tpu.memory_space<hbm>>) target_semaphore(%arg15 : memref<!tpu.dma_semaphore, #tpu.memory_space<semaphore_mem>>)
      %add3A_94 = arith.constant 2 : i32
      %add3A_95 = arith.addi %add3A_63, %add3A_94 : i32
      %lt3A = arith.constant 256 : i32
      %lt3A_96 = arith.cmpi slt, %add3A_95, %lt3A : i32
      %convert_element_type3A_97 = arith.extui %lt3A_96 : i1 to i32
      %cond3A_98 = arith.constant 0 : i32
      %cond3A_99 = arith.cmpi ne, %convert_element_type3A_97, %cond3A_98 : i32
      scf.if %cond3A_99 {
        %add3A_146 = arith.constant 2 : i32
        %add3A_147 = arith.addi %add3A_63, %add3A_146 : i32
        %mul3A_148 = arith.constant 400 : i32
        %mul3A_149 = arith.muli %add3A_147, %mul3A_148 : i32
        %add3A_150 = arith.addi %mul3A_8, %mul3A_149 : i32
        %dma_start3A_151 = arith.constant 0 : i32
        %dma_start3A_152 = tpu.memref_slice %arg10[%dma_start3A_151] : memref<800xi32, #tpu.memory_space<vmem>> -> memref<400xi32, #tpu.memory_space<vmem>>
        %dma_start3A_153 = tpu.memref_slice %arg2[%add3A_150] : memref<3276800xi32, #tpu.memory_space<hbm>> -> memref<400xi32, #tpu.memory_space<hbm>>
        %dma_start3A_154 = arith.constant 0 : i32
        %dma_start3A_155 = tpu.memref_slice %arg10[%dma_start3A_154] : memref<800xi32, #tpu.memory_space<vmem>> -> memref<400xi32, #tpu.memory_space<vmem>>
        %dma_start3A_156 = tpu.memref_slice %arg2[%add3A_150] : memref<3276800xi32, #tpu.memory_space<hbm>> -> memref<400xi32, #tpu.memory_space<hbm>>
        tpu.enqueue_dma source(%dma_start3A_156 : memref<400xi32, #tpu.memory_space<hbm>>) target(%dma_start3A_155 : memref<400xi32, #tpu.memory_space<vmem>>) target_semaphore(%arg13 : memref<!tpu.dma_semaphore, #tpu.memory_space<semaphore_mem>>)
        %dma_start3A_157 = arith.constant 0 : i32
        %dma_start3A_158 = tpu.memref_slice %arg11[%dma_start3A_157] : memref<800xi32, #tpu.memory_space<vmem>> -> memref<400xi32, #tpu.memory_space<vmem>>
        %dma_start3A_159 = tpu.memref_slice %arg3[%add3A_150] : memref<3276800xi32, #tpu.memory_space<hbm>> -> memref<400xi32, #tpu.memory_space<hbm>>
        %dma_start3A_160 = arith.constant 0 : i32
        %dma_start3A_161 = tpu.memref_slice %arg11[%dma_start3A_160] : memref<800xi32, #tpu.memory_space<vmem>> -> memref<400xi32, #tpu.memory_space<vmem>>
        %dma_start3A_162 = tpu.memref_slice %arg3[%add3A_150] : memref<3276800xi32, #tpu.memory_space<hbm>> -> memref<400xi32, #tpu.memory_space<hbm>>
        tpu.enqueue_dma source(%dma_start3A_162 : memref<400xi32, #tpu.memory_space<hbm>>) target(%dma_start3A_161 : memref<400xi32, #tpu.memory_space<vmem>>) target_semaphore(%arg13 : memref<!tpu.dma_semaphore, #tpu.memory_space<semaphore_mem>>)
      } else {
      }
      %mul3A_100 = arith.constant 2 : i32
      %mul3A_101 = arith.muli %scan3A_58, %mul3A_100 : i32
      %add3A_102 = arith.constant 1 : i32
      %add3A_103 = arith.addi %mul3A_101, %add3A_102 : i32
      %mul3A_104 = arith.constant 400 : i32
      %mul3A_105 = arith.muli %add3A_103, %mul3A_104 : i32
      %add3A_106 = arith.addi %mul3A_8, %mul3A_105 : i32
      %dma_wait3A_107 = arith.constant 400 : i32
      %dma_wait3A_108 = tpu.memref_slice %arg10[%dma_wait3A_107] : memref<800xi32, #tpu.memory_space<vmem>> -> memref<400xi32, #tpu.memory_space<vmem>>
      %dma_wait3A_109 = tpu.memref_slice %arg2[%add3A_106] : memref<3276800xi32, #tpu.memory_space<hbm>> -> memref<400xi32, #tpu.memory_space<hbm>>
      %dma_wait3A_110 = arith.constant 400 : i32
      %dma_wait3A_111 = tpu.memref_slice %arg10[%dma_wait3A_110] : memref<800xi32, #tpu.memory_space<vmem>> -> memref<400xi32, #tpu.memory_space<vmem>>
      %dma_wait3A_112 = tpu.memref_slice %arg2[%add3A_106] : memref<3276800xi32, #tpu.memory_space<hbm>> -> memref<400xi32, #tpu.memory_space<hbm>>
      tpu.wait_dma2 semaphore(%arg14 : memref<!tpu.dma_semaphore, #tpu.memory_space<semaphore_mem>>) src(%dma_wait3A_112 : memref<400xi32, #tpu.memory_space<hbm>>) dst(%dma_wait3A_111 : memref<400xi32, #tpu.memory_space<vmem>>)
      %dma_wait3A_113 = arith.constant 400 : i32
      %dma_wait3A_114 = tpu.memref_slice %arg11[%dma_wait3A_113] : memref<800xi32, #tpu.memory_space<vmem>> -> memref<400xi32, #tpu.memory_space<vmem>>
      %dma_wait3A_115 = tpu.memref_slice %arg3[%add3A_106] : memref<3276800xi32, #tpu.memory_space<hbm>> -> memref<400xi32, #tpu.memory_space<hbm>>
      %dma_wait3A_116 = arith.constant 400 : i32
      %dma_wait3A_117 = tpu.memref_slice %arg11[%dma_wait3A_116] : memref<800xi32, #tpu.memory_space<vmem>> -> memref<400xi32, #tpu.memory_space<vmem>>
      %dma_wait3A_118 = tpu.memref_slice %arg3[%add3A_106] : memref<3276800xi32, #tpu.memory_space<hbm>> -> memref<400xi32, #tpu.memory_space<hbm>>
      tpu.wait_dma2 semaphore(%arg14 : memref<!tpu.dma_semaphore, #tpu.memory_space<semaphore_mem>>) src(%dma_wait3A_118 : memref<400xi32, #tpu.memory_space<hbm>>) dst(%dma_wait3A_117 : memref<400xi32, #tpu.memory_space<vmem>>)
      %ge3A_119 = arith.constant 2 : i32
      %ge3A_120 = arith.cmpi sge, %add3A_103, %ge3A_119 : i32
      %convert_element_type3A_121 = arith.extui %ge3A_120 : i1 to i32
      %cond3A_122 = arith.constant 0 : i32
      %cond3A_123 = arith.cmpi ne, %convert_element_type3A_121, %cond3A_122 : i32
      scf.if %cond3A_123 {
        %dma_wait3A_146 = arith.constant 51200 : i32
        %dma_wait3A_147 = tpu.memref_slice %arg12[%dma_wait3A_146] : memref<102400xf32, #tpu.memory_space<vmem>> -> memref<51200xf32, #tpu.memory_space<vmem>>
        %dma_wait3A_148 = arith.constant 0 : i32
        %dma_wait3A_149 = tpu.memref_slice %arg6[%dma_wait3A_148] : memref<419430400xf32, #tpu.memory_space<hbm>> -> memref<51200xf32, #tpu.memory_space<hbm>>
        %dma_wait3A_150 = arith.constant 0 : i32
        %dma_wait3A_151 = tpu.memref_slice %arg6[%dma_wait3A_150] : memref<419430400xf32, #tpu.memory_space<hbm>> -> memref<51200xf32, #tpu.memory_space<hbm>>
        %dma_wait3A_152 = arith.constant 51200 : i32
        %dma_wait3A_153 = tpu.memref_slice %arg12[%dma_wait3A_152] : memref<102400xf32, #tpu.memory_space<vmem>> -> memref<51200xf32, #tpu.memory_space<vmem>>
        tpu.wait_dma2 semaphore(%arg16 : memref<!tpu.dma_semaphore, #tpu.memory_space<semaphore_mem>>) src(%dma_wait3A_153 : memref<51200xf32, #tpu.memory_space<vmem>>) dst(%dma_wait3A_151 : memref<51200xf32, #tpu.memory_space<hbm>>)
      } else {
      }
      %parallel_loop3A_124 = arith.constant 0 : i32
      %parallel_loop3A_125 = arith.constant 25 : i32
      %parallel_loop3A_126 = arith.constant 1 : i32
      scf.for %parallel_loop3A_146 = %parallel_loop3A_124 to %parallel_loop3A_125 step %parallel_loop3A_126  : i32 {
        %parallel_loop3A_147 = arith.constant 16 : i32
        %parallel_loop3A_148 = arith.muli %parallel_loop3A_146, %parallel_loop3A_147 : i32
        %parallel_loop3A_149 = arith.constant 400 : i32
        %parallel_loop3A_150 = arith.addi %parallel_loop3A_149, %parallel_loop3A_148 : i32
        %parallel_loop3A_151 = arith.index_cast %parallel_loop3A_150 : i32 to index
        %parallel_loop3A_152 = tpu.vector_load %arg10[%parallel_loop3A_151] {strides = array<i32>} : memref<800xi32, #tpu.memory_space<vmem>>, vector<16xi32>,
        %parallel_loop3A_153 = arith.constant 16 : i32
        %parallel_loop3A_154 = arith.muli %parallel_loop3A_146, %parallel_loop3A_153 : i32
        %parallel_loop3A_155 = arith.constant 400 : i32
        %parallel_loop3A_156 = arith.addi %parallel_loop3A_155, %parallel_loop3A_154 : i32
        %parallel_loop3A_157 = arith.index_cast %parallel_loop3A_156 : i32 to index
        %parallel_loop3A_158 = tpu.vector_load %arg11[%parallel_loop3A_157] {strides = array<i32>} : memref<800xi32, #tpu.memory_space<vmem>>, vector<16xi32>,
        %parallel_loop3A_159 = arith.constant 32 : i32
        %parallel_loop3A_160 = vector.broadcast %parallel_loop3A_159 : i32 to vector<16xi32>
        %parallel_loop3A_161 = arith.addi %parallel_loop3A_152, %parallel_loop3A_160 : vector<16xi32>
        %parallel_loop3A_162 = arith.constant 0 : i32
        %parallel_loop3A_163 = arith.constant 64 : i32
        %parallel_loop3A_164 = vector.broadcast %parallel_loop3A_162 : i32 to vector<16xi32>
        %parallel_loop3A_165 = arith.maxsi %parallel_loop3A_164, %parallel_loop3A_161 : vector<16xi32>
        %parallel_loop3A_166 = vector.broadcast %parallel_loop3A_163 : i32 to vector<16xi32>
        %parallel_loop3A_167 = arith.minsi %parallel_loop3A_166, %parallel_loop3A_165 : vector<16xi32>
        %parallel_loop3A_168 = arith.constant 256 : i32
        %parallel_loop3A_169 = vector.broadcast %parallel_loop3A_168 : i32 to vector<16xi32>
        %parallel_loop3A_170 = arith.muli %parallel_loop3A_167, %parallel_loop3A_169 : vector<16xi32>
        %parallel_loop3A_171 = arith.constant 128 : i32
        %parallel_loop3A_172 = vector.broadcast %parallel_loop3A_171 : i32 to vector<16xi32>
        %parallel_loop3A_173 = arith.muli %parallel_loop3A_158, %parallel_loop3A_172 : vector<16xi32>
        %parallel_loop3A_174 = arith.addi %parallel_loop3A_170, %parallel_loop3A_173 : vector<16xi32>
        %parallel_loop3A_175 = arith.constant 16 : i32
        %parallel_loop3A_176 = arith.muli %parallel_loop3A_146, %parallel_loop3A_175 : i32
        %parallel_loop3A_177 = vector.broadcast %parallel_loop3A_176 : i32 to vector<16xi32>
        %parallel_loop3A_178 = arith.addi %parallel_loop3A_177, %iota3A : vector<16xi32>
        %parallel_loop3A_179 = arith.constant 128 : i32
        %parallel_loop3A_180 = vector.broadcast %parallel_loop3A_179 : i32 to vector<16xi32>
        %parallel_loop3A_181 = arith.muli %parallel_loop3A_178, %parallel_loop3A_180 : vector<16xi32>
        %parallel_loop3A_182 = arith.constant 51200 : i32
        %parallel_loop3A_183 = vector.broadcast %parallel_loop3A_182 : i32 to vector<16xi32>
        %parallel_loop3A_184 = arith.addi %parallel_loop3A_181, %parallel_loop3A_183 : vector<16xi32>
        %parallel_loop3A_185 = arith.addi %parallel_loop3A_174, %iota3A : vector<16xi32>
        %parallel_loop3A_186 = arith.addi %parallel_loop3A_184, %iota3A : vector<16xi32>
        %parallel_loop3A_187 = arith.constant 0 : i32
        %parallel_loop3A_188 = arith.constant 112 : i32
        %parallel_loop3A_189 = arith.constant 1 : i32
        scf.for %parallel_loop3A_193 = %parallel_loop3A_187 to %parallel_loop3A_188 step %parallel_loop3A_189  : i32 {
          %parallel_loop3A_194 = vector.broadcast %parallel_loop3A_193 : i32 to vector<16xi32>
          %parallel_loop3A_195 = arith.addi %parallel_loop3A_185, %parallel_loop3A_194 : vector<16xi32>
          %parallel_loop3A_196 = tpu.vector_load_idx %arg9[%parallel_loop3A_195] : memref<16640xf32, #tpu.memory_space<vmem>>[vector<16xi32>], vector<16xf32>,
          %parallel_loop3A_197 = vector.broadcast %parallel_loop3A_193 : i32 to vector<16xi32>
          %parallel_loop3A_198 = arith.addi %parallel_loop3A_186, %parallel_loop3A_197 : vector<16xi32>
          tpu.vector_store_idx %arg12[%parallel_loop3A_198], %parallel_loop3A_196 : memref<102400xf32, #tpu.memory_space<vmem>>[vector<16xi32>], vector<16xf32>,
        } {sc.loop_unroll_factor = 16 : i64, sc.parallel_access}
        %parallel_loop3A_190 = arith.constant 112 : i32
        %parallel_loop3A_191 = arith.constant 128 : i32
        %parallel_loop3A_192 = arith.constant 1 : i32
        scf.for %parallel_loop3A_193 = %parallel_loop3A_190 to %parallel_loop3A_191 step %parallel_loop3A_192  : i32 {
          %parallel_loop3A_194 = vector.broadcast %parallel_loop3A_193 : i32 to vector<16xi32>
          %parallel_loop3A_195 = arith.addi %iota3A, %parallel_loop3A_194 : vector<16xi32>
          %parallel_loop3A_196 = arith.constant 127 : i32
          %parallel_loop3A_197 = vector.broadcast %parallel_loop3A_196 : i32 to vector<16xi32>
          %parallel_loop3A_198 = arith.andi %parallel_loop3A_195, %parallel_loop3A_197 : vector<16xi32>
          %parallel_loop3A_199 = arith.addi %parallel_loop3A_174, %parallel_loop3A_198 : vector<16xi32>
          %parallel_loop3A_200 = tpu.vector_load_idx %arg9[%parallel_loop3A_199] : memref<16640xf32, #tpu.memory_space<vmem>>[vector<16xi32>], vector<16xf32>,
          %parallel_loop3A_201 = arith.addi %parallel_loop3A_184, %parallel_loop3A_198 : vector<16xi32>
          tpu.vector_store_idx %arg12[%parallel_loop3A_201], %parallel_loop3A_200 : memref<102400xf32, #tpu.memory_space<vmem>>[vector<16xi32>], vector<16xf32>,
        } {sc.loop_unroll_factor = 16 : i64, sc.parallel_access}
      } {sc.loop_unroll_factor = 1 : i64, sc.parallel_access}
      %mul3A_127 = arith.constant 400 : i32
      %mul3A_128 = arith.muli %add3A_103, %mul3A_127 : i32
      %add3A_129 = arith.addi %mul3A_8, %mul3A_128 : i32
      %mul3A_130 = arith.constant 128 : i32
      %mul3A_131 = arith.muli %add3A_129, %mul3A_130 : i32
      %dma_start3A_132 = arith.constant 51200 : i32
      %dma_start3A_133 = tpu.memref_slice %arg12[%dma_start3A_132] : memref<102400xf32, #tpu.memory_space<vmem>> -> memref<51200xf32, #tpu.memory_space<vmem>>
      %dma_start3A_134 = tpu.memref_slice %arg6[%mul3A_131] : memref<419430400xf32, #tpu.memory_space<hbm>> -> memref<51200xf32, #tpu.memory_space<hbm>>
      %dma_start3A_135 = tpu.memref_slice %arg6[%mul3A_131] : memref<419430400xf32, #tpu.memory_space<hbm>> -> memref<51200xf32, #tpu.memory_space<hbm>>
      %dma_start3A_136 = arith.constant 51200 : i32
      %dma_start3A_137 = tpu.memref_slice %arg12[%dma_start3A_136] : memref<102400xf32, #tpu.memory_space<vmem>> -> memref<51200xf32, #tpu.memory_space<vmem>>
      tpu.enqueue_dma source(%dma_start3A_137 : memref<51200xf32, #tpu.memory_space<vmem>>) target(%dma_start3A_135 : memref<51200xf32, #tpu.memory_space<hbm>>) target_semaphore(%arg16 : memref<!tpu.dma_semaphore, #tpu.memory_space<semaphore_mem>>)
      %add3A_138 = arith.constant 2 : i32
      %add3A_139 = arith.addi %add3A_103, %add3A_138 : i32
      %lt3A_140 = arith.constant 256 : i32
      %lt3A_141 = arith.cmpi slt, %add3A_139, %lt3A_140 : i32
      %convert_element_type3A_142 = arith.extui %lt3A_141 : i1 to i32
      %cond3A_143 = arith.constant 0 : i32
      %cond3A_144 = arith.cmpi ne, %convert_element_type3A_142, %cond3A_143 : i32
      scf.if %cond3A_144 {
        %add3A_146 = arith.constant 2 : i32
        %add3A_147 = arith.addi %add3A_103, %add3A_146 : i32
        %mul3A_148 = arith.constant 400 : i32
        %mul3A_149 = arith.muli %add3A_147, %mul3A_148 : i32
        %add3A_150 = arith.addi %mul3A_8, %mul3A_149 : i32
        %dma_start3A_151 = arith.constant 400 : i32
        %dma_start3A_152 = tpu.memref_slice %arg10[%dma_start3A_151] : memref<800xi32, #tpu.memory_space<vmem>> -> memref<400xi32, #tpu.memory_space<vmem>>
        %dma_start3A_153 = tpu.memref_slice %arg2[%add3A_150] : memref<3276800xi32, #tpu.memory_space<hbm>> -> memref<400xi32, #tpu.memory_space<hbm>>
        %dma_start3A_154 = arith.constant 400 : i32
        %dma_start3A_155 = tpu.memref_slice %arg10[%dma_start3A_154] : memref<800xi32, #tpu.memory_space<vmem>> -> memref<400xi32, #tpu.memory_space<vmem>>
        %dma_start3A_156 = tpu.memref_slice %arg2[%add3A_150] : memref<3276800xi32, #tpu.memory_space<hbm>> -> memref<400xi32, #tpu.memory_space<hbm>>
        tpu.enqueue_dma source(%dma_start3A_156 : memref<400xi32, #tpu.memory_space<hbm>>) target(%dma_start3A_155 : memref<400xi32, #tpu.memory_space<vmem>>) target_semaphore(%arg14 : memref<!tpu.dma_semaphore, #tpu.memory_space<semaphore_mem>>)
        %dma_start3A_157 = arith.constant 400 : i32
        %dma_start3A_158 = tpu.memref_slice %arg11[%dma_start3A_157] : memref<800xi32, #tpu.memory_space<vmem>> -> memref<400xi32, #tpu.memory_space<vmem>>
        %dma_start3A_159 = tpu.memref_slice %arg3[%add3A_150] : memref<3276800xi32, #tpu.memory_space<hbm>> -> memref<400xi32, #tpu.memory_space<hbm>>
        %dma_start3A_160 = arith.constant 400 : i32
        %dma_start3A_161 = tpu.memref_slice %arg11[%dma_start3A_160] : memref<800xi32, #tpu.memory_space<vmem>> -> memref<400xi32, #tpu.memory_space<vmem>>
        %dma_start3A_162 = tpu.memref_slice %arg3[%add3A_150] : memref<3276800xi32, #tpu.memory_space<hbm>> -> memref<400xi32, #tpu.memory_space<hbm>>
        tpu.enqueue_dma source(%dma_start3A_162 : memref<400xi32, #tpu.memory_space<hbm>>) target(%dma_start3A_161 : memref<400xi32, #tpu.memory_space<vmem>>) target_semaphore(%arg14 : memref<!tpu.dma_semaphore, #tpu.memory_space<semaphore_mem>>)
      } else {
      }
      %scan3A_145 = arith.constant 0 : i32
      scf.yield %scan3A_145 : i32
    }
    %scan3A_42 = arith.constant 128 : i32
    %dma_wait3A = arith.constant 0 : i32
    %dma_wait3A_43 = tpu.memref_slice %arg12[%dma_wait3A] : memref<102400xf32, #tpu.memory_space<vmem>> -> memref<51200xf32, #tpu.memory_space<vmem>>
    %dma_wait3A_44 = arith.constant 0 : i32
    %dma_wait3A_45 = tpu.memref_slice %arg6[%dma_wait3A_44] : memref<419430400xf32, #tpu.memory_space<hbm>> -> memref<51200xf32, #tpu.memory_space<hbm>>
    %dma_wait3A_46 = arith.constant 0 : i32
    %dma_wait3A_47 = tpu.memref_slice %arg6[%dma_wait3A_46] : memref<419430400xf32, #tpu.memory_space<hbm>> -> memref<51200xf32, #tpu.memory_space<hbm>>
    %dma_wait3A_48 = arith.constant 0 : i32
    %dma_wait3A_49 = tpu.memref_slice %arg12[%dma_wait3A_48] : memref<102400xf32, #tpu.memory_space<vmem>> -> memref<51200xf32, #tpu.memory_space<vmem>>
    tpu.wait_dma2 semaphore(%arg15 : memref<!tpu.dma_semaphore, #tpu.memory_space<semaphore_mem>>) src(%dma_wait3A_49 : memref<51200xf32, #tpu.memory_space<vmem>>) dst(%dma_wait3A_47 : memref<51200xf32, #tpu.memory_space<hbm>>)
    %dma_wait3A_50 = arith.constant 51200 : i32
    %dma_wait3A_51 = tpu.memref_slice %arg12[%dma_wait3A_50] : memref<102400xf32, #tpu.memory_space<vmem>> -> memref<51200xf32, #tpu.memory_space<vmem>>
    %dma_wait3A_52 = arith.constant 0 : i32
    %dma_wait3A_53 = tpu.memref_slice %arg6[%dma_wait3A_52] : memref<419430400xf32, #tpu.memory_space<hbm>> -> memref<51200xf32, #tpu.memory_space<hbm>>
    %dma_wait3A_54 = arith.constant 0 : i32
    %dma_wait3A_55 = tpu.memref_slice %arg6[%dma_wait3A_54] : memref<419430400xf32, #tpu.memory_space<hbm>> -> memref<51200xf32, #tpu.memory_space<hbm>>
    %dma_wait3A_56 = arith.constant 51200 : i32
    %dma_wait3A_57 = tpu.memref_slice %arg12[%dma_wait3A_56] : memref<102400xf32, #tpu.memory_space<vmem>> -> memref<51200xf32, #tpu.memory_space<vmem>>
    tpu.wait_dma2 semaphore(%arg16 : memref<!tpu.dma_semaphore, #tpu.memory_space<semaphore_mem>>) src(%dma_wait3A_57 : memref<51200xf32, #tpu.memory_space<vmem>>) dst(%dma_wait3A_55 : memref<51200xf32, #tpu.memory_space<hbm>>)
    return
  }
}

</mosaic_0001>

<sc_bundles>
// kernel: _run.3.cloned.1.call-start
scs
__scs_entry_jumppad:
0x0: {  	(pc) =	sbr.rel $0x88, $3  }
0x1: {  	(tag) =	ssettag $0x0;
	lr =	simm.s32 $0x1  }
0x2: {  	[smem:$0x3F9D] =	sst lr;
	_ =	strace $0xD0000000  }
0x3: {  	_ = 	snop  }
0x4: {  	_ = 	snop  }
0x5: {  	_ = 	snop  }
0x6: {  	_ = 	snop  }
0x7: {  	_ = 	snop  }
__scs_overlays_trampoline_lowered:
0x8: {  	[smem:$0x3FAC] =	sst s0  }
0x9: {  	[smem:$0x3FAD] =	sst s1  }
0xa: {  	[smem:$0x3FAE] =	sst s2  }
0xb: {  	[smem:$0x3FAF] =	sst s3  }
0xc: {  	[smem:$0x3FB0] =	sst s4  }
0xd: {  	[smem:$0x3FB1] =	sst s5  }
0xe: {  	[smem:$0x3FB2] =	sst s6  }
0xf: {  	[smem:$0x3FB3] =	sst s7  }
0x10: {  	[smem:$0x3FB4] =	sst s8  }
0x11: {  	[smem:$0x3FB5] =	sst s9;
	s0 =	simm.s32 @!p0 $0x0  }
0x12: {  	s1 =	sld [smem:$0x3F9B];
	s0 =	simm.s32 @p0 $0x1  }
0x13: {  	[smem:$0x3FB6] =	sst s0;
	s0 =	simm.s32 @!p1 $0x0  }
0x14: {  	s2 =	sld [smem:$0x3F9A];
	s0 =	simm.s32 @p1 $0x1  }
0x15: {  	[smem:$0x3FB7] =	sst s0;
	s0 =	simm.s32 @!p2 $0x0  }
0x16: {  	s3 =	sld [smem:$0x3FDB];
	s0 =	simm.s32 @p2 $0x1  }
0x17: {  	s4 =	simm.s32 $0x1BF5;
	[smem:$0x3FB9] =	sst s0  }
0x18: {  	s0 =	sld [smem:$0x3F9C];
	_ =	swait.ge [sflag:s4], $0x0  }
0x19: {  	s7 =	sld [smem:$0x3F9D]  }
0x1a: {  	s8 =	sadd.s32 $0xFFFFE003, lr  }
0x1b: {  	s9 =	sadd.s32 $0xFFFFFEF7, lr;
	s5 =	simm.s32 $0xFFFFFFFF;
	p2 =	slt.u32 s8, $0xFFFFF086  }
0x1c: {  	p1 =	slt.u32 s9, $0xF7A;
	s5 =	simm.s32 @!p2 $0x0  }
0x1d: {  	s5 =	simm.s32 @p1 $0x1;
	p0 =	seq.s32 s7, s2  }
0x1e: {  	s7 =	smul.u32 @!p0 $0xF7A, s2;
	p2 =	seq.s32 @!p0 s5, $0x0  }
0x1f: {  	s9 =	smul.u32 $0xF7A, s1;
	s8 =	simm.s32 @!p0 $0x1BF5;
	p2 =	por !p2, p0  }
0x20: {  	[sflag:s8] =	ssyncset.s32 @!p0 $0xFFFFF086;
	s6 =	sadd.s32 @!p0 s3, s7;
	s7 =	simm.s32 @!p0 $0x108  }
0x21: {  	s3 =	sadd.s32 s3, s9;
	s6 =	sadd.s32 @!p0 $0x88, s6;
	s7 =	simm.s32 @p2 $0x1082  }
0x22: {  	[simem:s7], [sflag:s8] =	dma.local @!p0 [hbm:s6], $0xF7A  }
0x23: {  	s9 =	sor.u32 $0xD0000000, s2;
	s6 =	simm.s32 $0x108;
	_ =	swait.ge @!p0 [sflag:s8], $0x0  }
0x24: {  	s3 =	sadd.s32 $0x88, s3;
	s6 =	simm.s32 @!p1 $0x1082;
	[sflag:s4] =	ssyncset.s32 $0xFFFFF086  }
0x25: {  	[simem:s6], [sflag:s4] =	dma.local [hbm:s3], $0xF7A  }
0x26: {  	[smem:$0x3F9D] =	sst s1;
	(tag) =	ssettag s2;
	_ =	strace s9  }
0x27: {  	s1 =	sld [smem:$0x3FAD]  }
0x28: {  	s2 =	sld [smem:$0x3FAE]  }
0x29: {  	s4 =	sld [smem:$0x3FB0]  }
0x2a: {  	p0 =	seq.s32 s5, $0x0;
	s5 =	sld [smem:$0x3FB1]  }
0x2b: {  	s6 =	sld [smem:$0x3FB2]  }
0x2c: {  	s7 =	sld [smem:$0x3FB3]  }
0x2d: {  	s3 =	simm.s32 $0x108;
	s8 =	sld [smem:$0x3FB4]  }
0x2e: {  	s3 =	simm.s32 @!p0 $0x1082;
	s9 =	sld [smem:$0x3FB5]  }
0x2f: {  	lr =	sadd.s32 s0, s3;
	s0 =	sld [smem:$0x3FAC]  }
0x30: {  	s3 =	sld [smem:$0x3FAF]  }
0x31: {  	[smem:$0x3FB8] =	sst s10  }
0x32: {  	s10 =	sld [smem:$0x3FB6];
	_ =	sdelay $0x3  }
0x33: {  	p0 =	seq.s32 s10, $0x1;
	s10 =	sld [smem:$0x3FB8];
	_ =	sdelay $0x3  }
0x34: {  	[smem:$0x3FB8] =	sst s10  }
0x35: {  	s10 =	sld [smem:$0x3FB7];
	_ =	sdelay $0x3  }
0x36: {  	p1 =	seq.s32 s10, $0x1;
	s10 =	sld [smem:$0x3FB8];
	_ =	sdelay $0x3  }
0x37: {  	[smem:$0x3FB8] =	sst s10  }
0x38: {  	s10 =	sld [smem:$0x3FB9]  }
0x39: {  	_ = 	snop;
	(pc) =	sbr.ind lr, $3  }
0x3a: {  	_ = 	snop  }
0x3b: {  	_ = 	snop  }
0x3c: {  	p2 =	seq.s32 s10, $0x1;
	s10 =	sld [smem:$0x3FB8]  }
0x3d: {  	_ =	shalt  }
0x3e: {  	_ =	shalt  }
0x3f: {  	_ =	shalt  }
0x40: {  	_ =	shalt  }
0x41: {  	_ =	shalt  }
0x42: {  	_ =	shalt  }
0x43: {  	_ =	shalt  }
0x44: {  	_ =	shalt  }
0x45: {  	_ =	shalt  }
0x46: {  	_ =	shalt  }
0x47: {  	_ =	shalt  }
0x48: {  	_ =	shalt  }
0x49: {  	_ =	shalt  }
0x4a: {  	_ =	shalt  }
0x4b: {  	_ =	shalt  }
0x4c: {  	_ =	shalt  }
0x4d: {  	_ =	shalt  }
0x4e: {  	_ =	shalt  }
0x4f: {  	_ =	shalt  }
0x50: {  	_ =	shalt  }
0x51: {  	_ =	shalt  }
0x52: {  	_ =	shalt  }
0x53: {  	_ =	shalt  }
0x54: {  	_ =	shalt  }
0x55: {  	_ =	shalt  }
0x56: {  	_ =	shalt  }
0x57: {  	_ =	shalt  }
0x58: {  	_ =	shalt  }
0x59: {  	_ =	shalt  }
0x5a: {  	_ =	shalt  }
0x5b: {  	_ =	shalt  }
0x5c: {  	_ =	shalt  }
0x5d: {  	_ =	shalt  }
0x5e: {  	_ =	shalt  }
0x5f: {  	_ =	shalt  }
0x60: {  	_ =	shalt  }
0x61: {  	_ =	shalt  }
0x62: {  	_ =	shalt  }
0x63: {  	_ =	shalt  }
0x64: {  	_ =	shalt  }
0x65: {  	_ =	shalt  }
0x66: {  	_ =	shalt  }
0x67: {  	_ =	shalt  }
0x68: {  	_ =	shalt  }
0x69: {  	_ =	shalt  }
0x6a: {  	_ =	shalt  }
0x6b: {  	_ =	shalt  }
0x6c: {  	_ =	shalt  }
0x6d: {  	_ =	shalt  }
0x6e: {  	_ =	shalt  }
0x6f: {  	_ =	shalt  }
0x70: {  	_ =	shalt  }
0x71: {  	_ =	shalt  }
0x72: {  	_ =	shalt  }
0x73: {  	_ =	shalt  }
0x74: {  	_ =	shalt  }
0x75: {  	_ =	shalt  }
0x76: {  	_ =	shalt  }
0x77: {  	_ =	shalt  }
0x78: {  	_ =	shalt  }
0x79: {  	_ =	shalt  }
0x7a: {  	_ =	shalt  }
0x7b: {  	_ =	shalt  }
0x7c: {  	_ =	shalt  }
0x7d: {  	_ =	shalt  }
0x7e: {  	_ =	shalt  }
0x7f: {  	_ =	shalt  }
0x80: {  	_ =	shalt  }
0x81: {  	_ =	shalt  }
0x82: {  	_ =	shalt  }
0x83: {  	_ =	shalt  }
0x84: {  	_ =	shalt  }
0x85: {  	_ =	shalt  }
0x86: {  	_ =	shalt  }
0x87: {  	_ =	shalt  }
.Lfunc_end0:
.L_simem_size_0:
called_computation_lowered:
.L_overlay_start_0:
0x88: {  	s2 =	sld [smem:$0x3FD9]  }
0x89: {  	s3 =	sld [smem:$0x3FFE];
	_ =	sdelay $0x1  }
0x8a: {  	s1 =	srdreg.scid  }
0x8b: {  	s0 =	sand.u32 $0x1, s1  }
0x8c: {  	s18 =	sshll.u32 s0, $0xA;
	s2 =	sadd.s32 s3, s2  }
0x8d: {  	s2 =	sadd.s32 s2, s18  }
0x8e: {  	[smem:$0x3FC4] =	sst s2  }
0x8f: {  	_ = 	snop  }
0x90: {  	s2 =	sld [smem:$0x3FC9]  }
0x91: {  	s19 =	sld [smem:$0x3FC8]  }
0x92: {  	s4 =	sld [smem:$0x3FC7]  }
0x93: {  	s5 =	sld [smem:$0x3FC6]  }
0x94: {  	s6 =	sld [smem:$0x3FD0];
	(tm) =	ssettm $0x1  }
0x95: {  	s7 =	sld [smem:$0x3FFB];
	_ =	sdelay $0x3  }
0x96: {  	_ =	strace s7  }
0x97: {  	s7 =	sld [smem:$0x3FFC];
	_ =	sdelay $0x3  }
0x98: {  	_ =	strace s7  }
0x99: {  	s7 =	sld [smem:$0x3FFD];
	_ =	sdelay $0x3  }
0x9a: {  	_ =	strace s7  }
0x9b: {  	_ =	strace $0x8FFFFFFF  }
0x9c: {  	s20 =	sld [smem:$0x3FDB];
	_ =	sdelay $0x1  }
0x9d: {  	s8 =	simm.s32 $_scs_section_size  }
0x9e: {  	s9 =	simm.s32 $_size__tile_overlayer_lowered;
	s10 =	simm.s32 $_tile_overlayer_lowered  }
0x9f: {  	s23 =	simm.s32 $0x1BFF;
	s22 =	sshll.u32 s10, $0x1;
	s7 =	sadd.s32 s8, s20  }
0xa0: {  	s11 =	simm.s32 $0x0;
	s21 =	sshll.u32 s9, $0x1;
	s9 =	sadd.s32 s22, s7  }
0xa1: {  	[timem:s11], [sflag:s23] =	dma.local [hbm:s9], s21  }
0xa2: {  	_ =	swait.ge [sflag:s23], s21  }
0xa3: {  	s8 =	ssub.s32 $0x0, s21;
	[sflag:s23] =	ssyncset.done $0x0  }
0xa4: {  	[sflag:s23] =	ssyncadd.s32 s8;
	_ =	sdelay $0x1  }
0xa5: {  	s24 =	simm.s32 $0x1B8B  }
0xa6: {  	_ =	swait.ge [sflag:s24], $0x1  }
0xa7: {  	[sflag:s24] =	ssyncset.done $0x0  }
0xa8: {  	s25 =	simm.s32 $0x1B8E;
	[sflag:s24] =	ssyncadd.s32 $0xFFFFFFFF  }
0xa9: {  	s26 =	simm.s32 $execute0_lowered;
	[smem:$0x3FD2] =	sst s25  }
0xaa: {  	s8 =	sshll.u32 s26, $0x1;
	_ =	strace $0x80000046;
	[dreg:$0x1] =	wrdreg $0xFFFFFFFF  }
0xab: {  	s28 =	simm.s32 $_size_execute0_lowered;
	s7 =	sadd.s32 s7, s8;
	[dreg:$0x0] =	wrdreg $0x0  }
0xac: {  	s8 =	sshll.u32 s28, $0x1;
	[dreg:$0x2] =	wrdreg s7  }
0xad: {  	[dreg:$0x3] =	wrdreg s8  }
0xae: {  	[dreg:$0x4] =	wrdreg $0xC0  }
0xaf: {  	_ =	task [dreg:s11], $0x5FFFF  }
0xb0: {  	[dreg:$0x1] =	wrdreg $0xFFFFFFFF  }
0xb1: {  	[dreg:$0x0] =	wrdreg $0x60  }
0xb2: {  	[dreg:$0x2] =	wrdreg s2  }
0xb3: {  	[dreg:$0x3] =	wrdreg s19  }
0xb4: {  	[dreg:$0x4] =	wrdreg s4  }
0xb5: {  	[dreg:$0x5] =	wrdreg s5  }
0xb6: {  	[dreg:$0x6] =	wrdreg s6  }
0xb7: {  	[dreg:$0x7] =	wrdreg $0x9  }
0xb8: {  	_ =	task.clear_ibuf [dreg:s11], $0x8FFFF;
	_ =	strace $0x90000046  }
0xb9: {  	s29 =	simm.s32 $0x9;
	_ =	strace $0x80000048  }
0xba: {  	_ =	swait.ge [sflag:s29], $0x1  }
0xbb: {  	[sflag:s29] =	ssyncadd.s32 $0xFFFFFFFF  }
0xbc: {  	_ =	strace $0x90000048  }
0xbd: {  	_ =	sfence  }
0xbe: {  	s30 =	sld [smem:$0x0];
	_ =	sdelay $0x2  }
0xbf: {  	s31 =	sshll.u32 s1, $0xD;
	s1 =	sshrl.u32 s1, $0x2  }
0xc0: {  	s3 =	sand.u32 $0x4000, s31;
	s1 =	sadd.s32 s1, s30  }
0xc1: {  	s0 =	sor.u32 s3, s0;
	s1 =	sshll.u32 s1, $0x11  }
0xc2: {  	s0 =	sor.u32 s1, s0  }
0xc3: {  	s0 =	sadd.s32 $0x8F2B, s0  }
0xc4: {  	[sflag:s0] =	ssyncadd.remote.s32 $0x1  }
0xc5: {  	_ =	sfence.sel $0xFFFF  }
0xc6: {  	[dreg:$0x0] =	wrdreg $0xFFFFFFFF;
	(pc) =	sbr.abs _section_cstart, $3  }
0xc7: {  	[dreg:$0x1] =	wrdreg $0xFFFFFFFF  }
0xc8: {  	_ =	task.clear_ibuf [dreg:s11], $0x2FFFF;
	_ =	strace $0x9FFFFFFF  }
0xc9: {  	(tm) =	ssettm $0x7FFFFFFF  }
tec
execute0_lowered:
.L_overlay_start_1:
0x0: {  	(tag) =	ssettag $0x1  }
0x1: {  	v1 =	vimm.s32 $0x74737271;
	v2 =	vimm.s32 $0x78777675  }
0x2: {  	v0 =	vlaneseq.u32;
	vm0 =	vcmask $0x1F10;
	v4 =	vimm.s32 $0x7C7B7A79  }
0x3: {  	v5 =	vimm.s32 $0x7F7E7D;
	v6 =	vimm.s32 $0x7D7C7B7A;
	v17 =	vimm.s32 $0x3020100  }
0x4: {  	v19 =	vimm.s32 $0x77767574;
	v20 =	vimm.s32 $0x7B7A7978;
	v22 =	vimm.s32 $0x4030201  }
0x5: {  	v23 =	vimm.s32 $0x5040302;
	vm7 =	vcmask $0x2F10;
	vm1 =	vcmask $0x3F30  }
0x6: {  	vm14 =	vcmask $0x300;
	vm13 =	vcmask $0x704;
	vm12 =	vcmask $0xB08  }
0x7: {  	vm11 =	vcmask $0xF0C;
	vm10 =	vcmask $0x1310;
	vm9 =	vcmask $0x1714  }
0x8: {  	vm6 =	vcmask $0x1B18;
	vm15 =	vcmask $0x2320;
	vm2 =	vcmask $0x2724  }
0x9: {  	vm3 =	vcmask $0x2B28;
	vm4 =	vcmask $0x2F2C;
	vm5 =	vcmask $0x3330  }
0xa: {  	vm8 =	vcmask $0x3B38;
	v24 =	vimm.s32 $0xC804;
	v25 =	vimm.s32 $0xC805  }
0xb: {  	v26 =	vimm.s32 $0xC806;
	v27 =	vimm.s32 $0xC807;
	v28 =	vimm.s32 $0xC808  }
0xc: {  	v29 =	vimm.s32 $0xC809;
	v30 =	vimm.s32 $0xC80A;
	v31 =	vimm.s32 $0xC80B  }
0xd: {  	v32 =	vimm.s32 $0xC80C;
	v33 =	vimm.s32 $0xC80D;
	v34 =	vimm.s32 $0xC80E  }
0xe: {  	v3 =	vunpack.c.0.s8.s32 v1;
	v7 =	vunpack.c.0.s8.s32 v2;
	v1 =	vmul.u32 $0x80, v0  }
0xf: {  	v2 =	vor.u32 $0x70, v0;
	v8 =	vunpack.c.0.s8.s32 v4;
	v15 =	vunpack.c.0.s8.s32 v5  }
0x10: {  	v4 =	vimm.s32 $0x75747372;
	v5 =	vimm.s32 $0x79787776;
	v10 =	vunpack.c.0.s8.s32 v6  }
0x11: {  	v6 =	vimm.s32 $0x7A797877;
	v19 =	vunpack.c.0.s8.s32 v19;
	v20 =	vunpack.c.0.s8.s32 v20  }
0x12: {  	v22 =	vunpack.c.0.s8.s32 v22;
	v61 =	vor.u32 $0xC800, v0;
	v62 =	vor.u32 $0xC870, v0  }
0x13: {  	v24 =	vsel vm14, $0xC875, v24;
	v25 =	vsel vm14, $0xC876, v25;
	v26 =	vsel vm14, $0xC877, v26  }
0x14: {  	v27 =	vsel vm14, $0xC878, v27;
	v28 =	vsel vm14, $0xC879, v28;
	v29 =	vsel vm14, $0xC87A, v29  }
0x15: {  	v30 =	vsel vm14, $0xC87B, v30;
	v31 =	vsel vm14, $0xC87C, v31;
	v32 =	vsel vm14, $0xC87D, v32  }
0x16: {  	v33 =	vsel vm14, $0xC87E, v33;
	v34 =	vsel vm14, $0xC87F, v34;
	v4 =	vunpack.c.0.s8.s32 v4  }
0x17: {  	v9 =	vunpack.c.0.s8.s32 v5;
	v5 =	vimm.s32 $0x1007F7E;
	v12 =	vunpack.c.0.s8.s32 v6  }
0x18: {  	v6 =	vimm.s32 $0x7E7D7C7B;
	v24 =	vsel vm13, $0xC876, v24;
	v25 =	vsel vm13, $0xC877, v25  }
0x19: {  	v26 =	vsel vm13, $0xC878, v26;
	v27 =	vsel vm13, $0xC879, v27;
	v28 =	vsel vm13, $0xC87A, v28  }
0x1a: {  	v29 =	vsel vm13, $0xC87B, v29;
	v30 =	vsel vm13, $0xC87C, v30;
	v31 =	vsel vm13, $0xC87D, v31  }
0x1b: {  	v32 =	vsel vm13, $0xC87E, v32;
	v33 =	vsel vm13, $0xC87F, v33;
	v34 =	vsel vm13, $0xC800, v34  }
0x1c: {  	v3 =	vsel vm0, v7, v3;
	v16 =	vunpack.c.0.s8.s32 v5;
	v5 =	vimm.s32 $0x76757473  }
0x1d: {  	v11 =	vsel vm0, v15, v8;
	v14 =	vunpack.c.0.s8.s32 v6;
	v6 =	vimm.s32 $0x201007F  }
0x1e: {  	v19 =	vsel vm0, v20, v19;
	v22 =	vsel vm0, v22, v15;
	v7 =	vsel vm0, v8, v7  }
0x1f: {  	v24 =	vsel vm12, $0xC877, v24;
	v25 =	vsel vm12, $0xC878, v25;
	v26 =	vsel vm12, $0xC879, v26  }
0x20: {  	v27 =	vsel vm12, $0xC87A, v27;
	v28 =	vsel vm12, $0xC87B, v28;
	v29 =	vsel vm12, $0xC87C, v29  }
0x21: {  	v30 =	vsel vm12, $0xC87D, v30;
	v31 =	vsel vm12, $0xC87E, v31;
	v32 =	vsel vm12, $0xC87F, v32  }
0x22: {  	v33 =	vsel vm12, $0xC800, v33;
	v34 =	vsel vm12, $0xC801, v34;
	v5 =	vunpack.c.0.s8.s32 v5  }
0x23: {  	v3 =	vcombine.low v3, v11;
	v4 =	vsel vm0, v9, v4;
	v18 =	vunpack.c.0.s8.s32 v6  }
0x24: {  	v6 =	vunpack.c.0.s8.s32 v17;
	v17 =	vimm.s32 $0x7F7E7D7C;
	v7 =	vcombine.low v7, v22  }
0x25: {  	v9 =	vsel vm0, v10, v9;
	v22 =	vimm.s32 $0x32107654;
	v24 =	vsel vm11, $0xC878, v24  }
0x26: {  	v25 =	vsel vm11, $0xC879, v25;
	v26 =	vsel vm11, $0xC87A, v26;
	v27 =	vsel vm11, $0xC87B, v27  }
0x27: {  	v28 =	vsel vm11, $0xC87C, v28;
	v29 =	vsel vm11, $0xC87D, v29;
	v30 =	vsel vm11, $0xC87E, v30  }
0x28: {  	v31 =	vsel vm11, $0xC87F, v31;
	v32 =	vsel vm11, $0xC800, v32;
	v33 =	vsel vm11, $0xC801, v33  }
0x29: {  	v34 =	vsel vm11, $0xC802, v34;
	v13 =	vsel vm0, v16, v10;
	v17 =	vunpack.c.0.s8.s32 v17  }
0x2a: {  	v10 =	vsel vm0, v14, v12;
	v22 =	vunpack.c.l.s4.s8 v22;
	v24 =	vsel vm10, $0xC879, v24  }
0x2b: {  	v25 =	vsel vm10, $0xC87A, v25;
	v26 =	vsel vm10, $0xC87B, v26;
	v27 =	vsel vm10, $0xC87C, v27  }
0x2c: {  	v28 =	vsel vm10, $0xC87D, v28;
	v29 =	vsel vm10, $0xC87E, v29;
	v30 =	vsel vm10, $0xC87F, v30  }
0x2d: {  	v31 =	vsel vm10, $0xC800, v31;
	v32 =	vsel vm10, $0xC801, v32;
	v33 =	vsel vm10, $0xC802, v33  }
0x2e: {  	v34 =	vsel vm10, $0xC803, v34;
	v4 =	vcombine.low v4, v13;
	v5 =	vsel vm0, v12, v5  }
0x2f: {  	v21 =	vsel vm0, v18, v14;
	v12 =	vimm.s32 $0x87654321;
	v14 =	vimm.s32 $0x98765432  }
0x30: {  	v24 =	vsel vm9, $0xC87A, v24;
	v25 =	vsel vm9, $0xC87B, v25;
	v26 =	vsel vm9, $0xC87C, v26  }
0x31: {  	v27 =	vsel vm9, $0xC87D, v27;
	v28 =	vsel vm9, $0xC87E, v28;
	v29 =	vsel vm9, $0xC87F, v29  }
0x32: {  	v30 =	vsel vm9, $0xC800, v30;
	v31 =	vsel vm9, $0xC801, v31;
	v32 =	vsel vm9, $0xC802, v32  }
0x33: {  	v33 =	vsel vm9, $0xC803, v33;
	v34 =	vsel vm9, $0xC804, v34;
	v5 =	vcombine.low v5, v21  }
0x34: {  	v6 =	vsel vm0, v6, v17;
	v12 =	vunpack.c.l.s4.s8 v12;
	v14 =	vunpack.c.l.s4.s8 v14  }
0x35: {  	v20 =	vsel vm0, v17, v20;
	v22 =	vunpack.c.0.s8.s32 v22;
	v24 =	vsel vm6, $0xC87B, v24  }
0x36: {  	v25 =	vsel vm6, $0xC87C, v25;
	v26 =	vsel vm6, $0xC87D, v26;
	v27 =	vsel vm6, $0xC87E, v27  }
0x37: {  	v28 =	vsel vm6, $0xC87F, v28;
	v29 =	vsel vm6, $0xC800, v29;
	v30 =	vsel vm6, $0xC801, v30  }
0x38: {  	v31 =	vsel vm6, $0xC802, v31;
	v32 =	vsel vm6, $0xC803, v32;
	v33 =	vsel vm6, $0xC804, v33  }
0x39: {  	v6 =	vcombine.low v19, v6;
	v19 =	vunpack.c.0.s8.s32 v23;
	v23 =	vimm.s32 $0x6050403  }
0x3a: {  	v34 =	vsel vm6, $0xC805, v34;
	v23 =	vunpack.c.0.s8.s32 v23;
	v12 =	vunpack.c.0.s8.s32 v12  }
0x3b: {  	v14 =	vunpack.c.0.s8.s32 v14;
	v8 =	vsel vm0, v19, v16;
	v19 =	vimm.s32 $0xA9876543  }
0x3c: {  	v8 =	vcombine.low v9, v8;
	v9 =	vsel vm0, v23, v18;
	v19 =	vunpack.c.l.s4.s8 v19  }
0x3d: {  	v12 =	vand.u32 $0xF, v12;
	vm0 =	vcmask $0x1F1C;
	v23 =	vimm.s32 $0xC803  }
0x3e: {  	v9 =	vcombine.low v10, v9;
	v10 =	vimm.s32 $0x76543210;
	v11 =	vcombine.low v11, v12  }
0x3f: {  	v12 =	vand.u32 $0xF, v14;
	v23 =	vsel vm14, $0xC874, v23;
	v24 =	vsel vm0, $0xC87C, v24  }
0x40: {  	v25 =	vsel vm0, $0xC87D, v25;
	v26 =	vsel vm0, $0xC87E, v26;
	v27 =	vsel vm0, $0xC87F, v27  }
0x41: {  	v28 =	vsel vm0, $0xC800, v28;
	v29 =	vsel vm0, $0xC801, v29;
	v30 =	vsel vm0, $0xC802, v30  }
0x42: {  	v31 =	vsel vm0, $0xC803, v31;
	v32 =	vsel vm0, $0xC804, v32;
	v33 =	vsel vm0, $0xC805, v33  }
0x43: {  	v34 =	vsel vm0, $0xC806, v34;
	v10 =	vunpack.c.l.s4.s8 v10;
	v19 =	vunpack.c.0.s8.s32 v19  }
0x44: {  	v12 =	vcombine.low v13, v12;
	v23 =	vsel vm13, $0xC875, v23;
	v24 =	vsel vm15, $0xC87D, v24  }
0x45: {  	v25 =	vsel vm15, $0xC87E, v25;
	v26 =	vsel vm15, $0xC87F, v26;
	v27 =	vsel vm15, $0xC800, v27  }
0x46: {  	v28 =	vsel vm15, $0xC801, v28;
	v29 =	vsel vm15, $0xC802, v29;
	v30 =	vsel vm15, $0xC803, v30  }
0x47: {  	v31 =	vsel vm15, $0xC804, v31;
	v32 =	vsel vm15, $0xC805, v32;
	v33 =	vsel vm15, $0xC806, v33  }
0x48: {  	v34 =	vsel vm15, $0xC807, v34;
	v23 =	vsel vm12, $0xC876, v23;
	v24 =	vsel vm2, $0xC87E, v24  }
0x49: {  	v25 =	vsel vm2, $0xC87F, v25;
	v26 =	vsel vm2, $0xC800, v26;
	v27 =	vsel vm2, $0xC801, v27  }
0x4a: {  	v28 =	vsel vm2, $0xC802, v28;
	v29 =	vsel vm2, $0xC803, v29;
	v30 =	vsel vm2, $0xC804, v30  }
0x4b: {  	v31 =	vsel vm2, $0xC805, v31;
	v32 =	vsel vm2, $0xC806, v32;
	v33 =	vsel vm2, $0xC807, v33  }
0x4c: {  	v34 =	vsel vm2, $0xC808, v34;
	v10 =	vunpack.c.0.s8.s32 v10;
	v14 =	vand.u32 $0xF, v19  }
0x4d: {  	v19 =	vand.u32 $0xF, v22;
	v22 =	vimm.s32 $0xB0A0908;
	v23 =	vsel vm11, $0xC877, v23  }
0x4e: {  	v24 =	vsel vm3, $0xC87F, v24;
	v25 =	vsel vm3, $0xC800, v25;
	v26 =	vsel vm3, $0xC801, v26  }
0x4f: {  	v27 =	vsel vm3, $0xC802, v27;
	v28 =	vsel vm3, $0xC803, v28;
	v29 =	vsel vm3, $0xC804, v29  }
0x50: {  	v30 =	vsel vm3, $0xC805, v30;
	v31 =	vsel vm3, $0xC806, v31;
	v32 =	vsel vm3, $0xC807, v32  }
0x51: {  	v33 =	vsel vm3, $0xC808, v33;
	v34 =	vsel vm3, $0xC809, v34;
	v17 =	vsel vm7, v19, v17  }
0x52: {  	v19 =	vunpack.c.0.s8.s32 v22;
	v22 =	vimm.s32 $0x54329876;
	v13 =	vcombine.low v21, v14  }
0x53: {  	v21 =	vimm.s32 $0xD0C0B0A;
	v23 =	vsel vm10, $0xC878, v23;
	v24 =	vsel vm4, $0xC800, v24  }
0x54: {  	v25 =	vsel vm4, $0xC801, v25;
	v26 =	vsel vm4, $0xC802, v26;
	v27 =	vsel vm4, $0xC803, v27  }
0x55: {  	v28 =	vsel vm4, $0xC804, v28;
	v29 =	vsel vm4, $0xC805, v29;
	v30 =	vsel vm4, $0xC806, v30  }
0x56: {  	v31 =	vsel vm4, $0xC807, v31;
	v32 =	vsel vm4, $0xC808, v32;
	v33 =	vsel vm4, $0xC809, v33  }
0x57: {  	v34 =	vsel vm4, $0xC80A, v34;
	v10 =	vcombine.low v20, v10;
	v20 =	vimm.s32 $0x43218765  }
0x58: {  	v22 =	vunpack.c.l.s4.s8 v22;
	v23 =	vsel vm9, $0xC879, v23;
	v24 =	vsel vm5, $0xC801, v24  }
0x59: {  	v25 =	vsel vm5, $0xC802, v25;
	v26 =	vsel vm5, $0xC803, v26;
	v27 =	vsel vm5, $0xC804, v27  }
0x5a: {  	v28 =	vsel vm5, $0xC805, v28;
	v29 =	vsel vm5, $0xC806, v29;
	v30 =	vsel vm5, $0xC807, v30  }
0x5b: {  	v31 =	vsel vm5, $0xC808, v31;
	v20 =	vunpack.c.l.s4.s8 v20;
	v23 =	vsel vm6, $0xC87A, v23  }
0x5c: {  	v32 =	vsel vm5, $0xC809, v32;
	v33 =	vsel vm5, $0xC80A, v33;
	v23 =	vsel vm0, $0xC87B, v23  }
0x5d: {  	v34 =	vsel vm5, $0xC80B, v34;
	v20 =	vunpack.c.0.s8.s32 v20;
	v23 =	vsel vm15, $0xC87C, v23  }
0x5e: {  	v14 =	vsel vm1, v19, v17;
	v19 =	vimm.s32 $0xC0B0A09;
	v23 =	vsel vm2, $0xC87D, v23  }
0x5f: {  	v17 =	vand.u32 $0xF, v20;
	v20 =	vunpack.c.0.s8.s32 v22;
	v22 =	vimm.s32 $0xC802  }
0x60: {  	v23 =	vsel vm3, $0xC87E, v23;
	v15 =	vsel vm7, v17, v15;
	v17 =	vunpack.c.0.s8.s32 v19  }
0x61: {  	v19 =	vimm.s32 $0x6543A987;
	v22 =	vsel vm14, $0xC873, v22;
	v23 =	vsel vm4, $0xC87F, v23  }
0x62: {  	v20 =	vand.u32 $0xF, v20;
	v19 =	vunpack.c.l.s4.s8 v19;
	v22 =	vsel vm13, $0xC874, v22  }
0x63: {  	v23 =	vsel vm5, $0xC800, v23;
	v15 =	vsel vm1, v17, v15;
	v16 =	vsel vm7, v20, v16  }
0x64: {  	v17 =	vunpack.c.0.s8.s32 v21;
	v20 =	vimm.s32 $0xC800;
	v21 =	vimm.s32 $0xC801  }
0x65: {  	v22 =	vsel vm12, $0xC875, v22;
	v19 =	vunpack.c.0.s8.s32 v19;
	v21 =	vsel vm14, $0xC872, v21  }
0x66: {  	v22 =	vsel vm11, $0xC876, v22;
	v16 =	vsel vm1, v17, v16;
	v17 =	vsel vm14, $0xC871, v20  }
0x67: {  	v20 =	vimm.s32 $0xE0D0C0B;
	v21 =	vsel vm13, $0xC873, v21;
	v22 =	vsel vm10, $0xC877, v22  }
0x68: {  	v19 =	vand.u32 $0xF, v19;
	v17 =	vsel vm13, $0xC872, v17;
	v20 =	vunpack.c.0.s8.s32 v20  }
0x69: {  	v21 =	vsel vm12, $0xC874, v21;
	v22 =	vsel vm9, $0xC878, v22;
	v17 =	vsel vm12, $0xC873, v17  }
0x6a: {  	v18 =	vsel vm7, v19, v18;
	v21 =	vsel vm11, $0xC875, v21;
	v22 =	vsel vm6, $0xC879, v22  }
0x6b: {  	vm7 =	vcmask $0x3734;
	v17 =	vsel vm11, $0xC874, v17;
	v21 =	vsel vm10, $0xC876, v21  }
0x6c: {  	v22 =	vsel vm0, $0xC87A, v22;
	v23 =	vsel vm7, $0xC801, v23;
	v24 =	vsel vm7, $0xC802, v24  }
0x6d: {  	v25 =	vsel vm7, $0xC803, v25;
	v26 =	vsel vm7, $0xC804, v26;
	v21 =	vsel vm9, $0xC877, v21  }
0x6e: {  	v27 =	vsel vm7, $0xC805, v27;
	v28 =	vsel vm7, $0xC806, v28;
	v21 =	vsel vm6, $0xC878, v21  }
0x6f: {  	v29 =	vsel vm7, $0xC807, v29;
	v30 =	vsel vm7, $0xC808, v30;
	v21 =	vsel vm0, $0xC879, v21  }
0x70: {  	s0 =	rddreg [dreg:$0x0];
	v31 =	vsel vm7, $0xC809, v31;
	v32 =	vsel vm7, $0xC80A, v32;
	v21 =	vsel vm15, $0xC87A, v21  }
0x71: {  	s1 =	rddreg [dreg:$0x1];
	s2 =	srdreg.scid;
	v19 =	vsel vm10, $0xC875, v17;
	v22 =	vsel vm15, $0xC87B, v22;
	v21 =	vsel vm2, $0xC87B, v21  }
0x72: {  	s3 =	stileid.u32;
	s6 =	rddreg [dreg:$0x4];
	s7 =	simm.s32 $0x0;
	v17 =	vsel vm1, v20, v18;
	v22 =	vsel vm2, $0xC87C, v22;
	v21 =	vsel vm3, $0xC87C, v21  }
0x73: {  	s21 =	simm.s32 $0x6410;
	s2 =	sand.u32 $0x1, s2;
	s3 =	sshll.u32 s3, $0x1;
	v20 =	vsel vm9, $0xC876, v19;
	v22 =	vsel vm3, $0xC87D, v22;
	v21 =	vsel vm4, $0xC87D, v21  }
0x74: {  	s22 =	simm.s32 $0x6790;
	s23 =	simm.s32 $0x1;
	s3 =	sor.u32 s2, s3;
	v20 =	vsel vm6, $0xC877, v20;
	v22 =	vsel vm4, $0xC87E, v22;
	v21 =	vsel vm5, $0xC87E, v21  }
0x75: {  	s24 =	simm.s32 $0x2180;
	s2 =	ssub.s32 $0x2, s2;
	s8 =	smul.u32 $0x19000, s3;
	v20 =	vsel vm0, $0xC878, v20;
	v22 =	vsel vm5, $0xC87F, v22;
	v21 =	vsel vm7, $0xC87F, v21  }
0x76: {  	s28 =	simm.s32 $0x13180;
	s31 =	simm.s32 $0x0;
	s25 =	sshrl.u32 s2, $0x1;
	v20 =	vsel vm15, $0xC879, v20;
	v22 =	vsel vm7, $0xC800, v22;
	v18 =	vsel vm8, $0xC800, v21  }
0x77: {  	[smem:$0x7FF] =	sst s7;
	s2 =	ssub.s32 s2, s25;
	s4 =	sshrl.u32 s8, $0x3;
	v33 =	vsel vm7, $0xC80B, v33;
	v20 =	vsel vm2, $0xC87A, v20;
	[tilespmem:$0x1FFB0] =	vst v18;
	v18 =	vsel vm8, $0xC801, v22  }
0x78: {  	s26 =	sadd.s32 s0, s4;
	s29 =	sor.u32 $0x32, s4;
	s4 =	sadd.s32 s1, s4;
	v34 =	vsel vm7, $0xC80C, v34;
	v23 =	vsel vm8, $0xC802, v23;
	v20 =	vsel vm3, $0xC87B, v20;
	[tilespmem:$0x1FFC0] =	vst v18  }
.Ltmp0:
0x79: {  	v24 =	vsel vm8, $0xC803, v24;
	v25 =	vsel vm8, $0xC804, v25;
	v20 =	vsel vm4, $0xC87C, v20;
	_ =	strace $0x80000047;
	[dreg:$0x6] =	wrdreg s26;
	(pc) =	sbr.rel .LBB2_1-.Ltmp0, $4  }
0x7a: {  	s25 =	simm.s32 $0x6980;
	s30 =	sadd.s32 s0, s29;
	v26 =	vsel vm8, $0xC805, v26;
	v27 =	vsel vm8, $0xC806, v27;
	v20 =	vsel vm5, $0xC87D, v20;
	[dreg:$0x7] =	wrdreg s4  }
0x7b: {  	s13 =	sor.u32 $0x320, s8;
	s3 =	sadd.s32 s1, s29;
	v28 =	vsel vm8, $0xC807, v28;
	v29 =	vsel vm8, $0xC808, v29;
	v20 =	vsel vm7, $0xC87E, v20;
	[dreg:$0x8] =	wrdreg s30;
	[tilespmem:$0x1FFD0] =	vst v61  }
0x7c: {  	s14 =	sor.u32 $0x190, s8;
	s2 =	smax.u32 s2, $0x1;
	v30 =	vsel vm8, $0xC809, v30;
	v31 =	vsel vm8, $0xC80A, v31;
	v63 =	vsel vm8, $0xC87F, v20;
	[dreg:$0x9] =	wrdreg s3;
	[tilespmem:$0x1FFE0] =	vst v62  }
0x7d: {  	s15 =	sor.u32 $0x4B0, s8;
	v32 =	vsel vm8, $0xC80B, v32;
	v33 =	vsel vm8, $0xC80C, v33;
	v34 =	vsel vm8, $0xC80D, v34;
	[dreg:$0xa] =	wrdreg s2;
	s26 =	simm.s32 $0x2;
	[tilespmem:$0x1FFF0] =	vst v63  }
.LBB2_14:
0x7e: {  	s2 =	simm.s32 $0x3  }
0x7f: {  	_ =	swait.ge [sflag:s2], $0xC800  }
0x80: {  	[sflag:s2] =	ssyncset.done $0x0  }
0x81: {  	s3 =	simm.s32 $0x4;
	[sflag:s2] =	ssyncadd.s32 $0xFFFF3800  }
0x82: {  	_ =	swait.ge [sflag:s3], $0xC800  }
0x83: {  	s31 =	sadd.s32 $0x1, s31;
	s30 =	rddreg [dreg:$0xa]  }
0x84: {  	p0 =	sne.s32 s31, s30  }
.Ltmp1:
0x85: {  	_ = 	snop;
	(pc) =	sbr.rel @!p0 .LBB2_15-.Ltmp1, $3  }
0x86: {  	_ =	sdelay $0x1  }
0x87: {  	[sflag:s3] =	ssyncset.done $0x0  }
0x88: {  	[sflag:s3] =	ssyncadd.s32 $0xFFFF3800  }
.LBB2_1:
0x89: {  	s2 =	rddreg [dreg:$0x2];
	s3 =	simm.s32 $0x5  }
0x8a: {  	[tilespmem:s7], [sflag:$0x5] =	stream.linear.gather [hbm4b:s2+s7], $0x2080, $0x38;
	[tilespmem:$0x1F980] =	vst v63  }
0x8b: {  	_ =	swait.ge [sflag:s3], $0x2080  }
0x8c: {  	[sflag:s3] =	ssyncset.done $0x0  }
0x8d: {  	[sflag:s3] =	ssyncadd.s32 $0xFFFFDF80  }
0x8e: {  	s4 =	simm.s32 $0x2080;
	s19 =	rddreg [dreg:$0x3]  }
0x8f: {  	[tilespmem:s4], [sflag:$0x5] =	stream.linear.gather [hbm4b:s19+s7], $0x100, $0x38;
	[tilespmem:$0x1F980] =	vst v63  }
0x90: {  	_ =	swait.ge [sflag:s3], $0x100  }
0x91: {  	s20 =	simm.s32 $0x0;
	[sflag:s3] =	ssyncset.done $0x0  }
0x92: {  	s29 =	sand.u32 $0x70, s7;
	s2 =	sand.u32 $0x3FFFFF80, s20;
	[sflag:s3] =	ssyncadd.s32 $0xFFFFFF00  }
0x93: {  	s2 =	sor.u32 s29, s2;
	v35 =	vld [tilespmem:s29+$0x2080]  }
0x94: {  	v37 =	vld [tilespmem:s2+$0x0]  }
0x95: {  	v38 =	vld [tilespmem:s29+$0x2100];
	_ =	sdelay $0x2  }
0x96: {  	s30 =	simm.s32 $0x0  }
0x97: {  	s5 =	simm.s32 $0x2;
	s4 =	sand.u32 $0x3FFFFF00, s30  }
0x98: {  	s4 =	sor.u32 s29, s4;
	s3 =	simm.s32 $0x0;
	s2 =	simm.s32 $0x1;
	v36 =	vadd.f32 v35, v37;
	v35 =	vadd.f32 v38, v37  }
.LBB2_2:
0x99: {  	s9 =	sshll.u32 s2, $0x4  }
0x9a: {  	[tilespmem:s4+$0x2180] =	vst v36;
	s3 =	sadd.s32 $0x10, s3;
	s10 =	smov.u32 s5;
	s11 =	sadd.s32 $0x1, s5  }
0x9b: {  	p0 =	sne.s32 s5, $0x207;
	s5 =	sand.u32 $0x70, s3;
	s9 =	sand.u32 $0x3FFFFF80, s9;
	[tilespmem:s4+$0x2200] =	vst v35  }
0x9c: {  	s4 =	sor.u32 s5, s9;
	v35 =	vld [tilespmem:s5+$0x2080]  }
0x9d: {  	v37 =	vld [tilespmem:s4+$0x0]  }
0x9e: {  	v38 =	vld [tilespmem:s5+$0x2100]  }
.Ltmp2:
0x9f: {  	(pc) =	sbr.rel @p0 .LBB2_2-.Ltmp2, $4  }
0xa0: {  	_ = 	snop  }
0xa1: {  	s4 =	sshll.u32 s2, $0x5;
	s2 =	smov.u32 s10  }
0xa2: {  	s4 =	sand.u32 $0x3FFFFF00, s4;
	v36 =	vadd.f32 v35, v37  }
0xa3: {  	s4 =	sor.u32 s5, s4;
	s5 =	smov.u32 s11;
	v35 =	vadd.f32 v38, v37  }
0xa4: {  	s5 =	sshll.u32 s2, $0x4;
	[tilespmem:s4+$0x2180] =	vst v36;
	s3 =	sadd.s32 $0x10, s3  }
0xa5: {  	s3 =	sand.u32 $0x70, s3;
	s5 =	sand.u32 $0x3FFFFF80, s5;
	[tilespmem:s4+$0x2200] =	vst v35  }
0xa6: {  	s12 =	sor.u32 s3, s5;
	v35 =	vld [tilespmem:s3+$0x2080]  }
0xa7: {  	v36 =	vld [tilespmem:s12+$0x0]  }
0xa8: {  	v37 =	vld [tilespmem:s3+$0x2100];
	_ =	sdelay $0x2  }
0xa9: {  	s16 =	sshll.u32 s2, $0x5  }
0xaa: {  	s2 =	sand.u32 $0x3FFFFF00, s16;
	v35 =	vadd.f32 v35, v36  }
0xab: {  	s2 =	sor.u32 s3, s2;
	v36 =	vadd.f32 v37, v36  }
0xac: {  	[tilespmem:s2+$0x2180] =	vst v35  }
0xad: {  	s17 =	rddreg [dreg:$0x6];
	s18 =	simm.s32 $0x6280;
	s5 =	simm.s32 $0x0;
	[tilespmem:s2+$0x2200] =	vst v36  }
0xae: {  	[tilespmem:s18], [sflag:$0x1] =	stream.linear.gather [hbm4b:s17+s5], $0x190, $0x38;
	[tilespmem:$0x1F980] =	vst v63  }
0xaf: {  	s19 =	rddreg [dreg:$0x7];
	s20 =	simm.s32 $0x6600  }
0xb0: {  	[tilespmem:s20], [sflag:$0x1] =	stream.linear.gather [hbm4b:s19+s5], $0x190, $0x38;
	[tilespmem:$0x1F980] =	vst v63  }
0xb1: {  	s29 =	rddreg [dreg:$0x8]  }
0xb2: {  	[tilespmem:s21], [sflag:$0x2] =	stream.linear.gather [hbm4b:s29+s5], $0x190, $0x38;
	[tilespmem:$0x1F980] =	vst v63  }
0xb3: {  	s30 =	rddreg [dreg:$0x9]  }
0xb4: {  	[tilespmem:s22], [sflag:$0x2] =	stream.linear.gather [hbm4b:s30+s5], $0x190, $0x38;
	[tilespmem:$0x1F980] =	vst v63  }
.LBB2_4:
0xb5: {  	_ =	swait.ge [sflag:s23], $0x190  }
0xb6: {  	[sflag:s23] =	ssyncset.done $0x0  }
0xb7: {  	[sflag:s23] =	ssyncadd.s32 $0xFFFFFE70  }
0xb8: {  	_ =	swait.ge [sflag:s23], $0x190  }
0xb9: {  	p1 =	seq.s32 s5, $0x0;
	[sflag:s23] =	ssyncset.done $0x0  }
0xba: {  	s4 =	simm.s32 @!p1 $0x3;
	[sflag:s23] =	ssyncadd.s32 $0xFFFFFE70  }
0xbb: {  	s3 =	smul.u32 $0x320, s5;
	_ =	swait.ge @!p1 [sflag:s4], $0xC800  }
0xbc: {  	[sflag:s4] =	ssyncset.done @!p1 $0x0  }
0xbd: {  	s2 =	sadd.s32 s8, s3;
	[sflag:s4] =	ssyncadd.s32 @!p1 $0xFFFF3800;
	s4 =	simm.s32 $0x0  }
.LBB2_5:
0xbe: {  	s9 =	sshll.u32 s4, $0x4  }
0xbf: {  	v35 =	vld [tilespmem:s9+$0x6280];
	_ =	sdelay $0x3  }
0xc0: {  	v36 =	vld [tilespmem:s9+$0x6600]  }
0xc1: {  	v35 =	vadd.s32 $0x20, v35  }
0xc2: {  	vm0 =	vgt.s32 v35, $0x0  }
0xc3: {  	v35 =	vnsel vm0, $0x0, v35  }
0xc4: {  	v35 =	vmin.u32 v35, $0x40  }
0xc5: {  	v36 =	vshll.u32 v36, $0x7;
	v35 =	vshll.u32 v35, $0x8  }
0xc6: {  	v36 =	vadd.s32 v36, v35  }
0xc7: {  	s10 =	simm.s32 $0x0;
	v38 =	vor.u32 v0, v36  }
0xc8: {  	s11 =	simm.s32 $0xF;
	v39 =	vor.u32 s10, v38  }
0xc9: {  	s12 =	simm.s32 $0xE;
	v40 =	vadd.s32 s11, v38  }
0xca: {  	v63 =	vmov s9;
	s9 =	simm.s32 $0xD;
	v41 =	vadd.s32 s12, v38  }
0xcb: {  	s16 =	simm.s32 $0xC;
	v35 =	vshll.u32 v63, $0x7;
	v42 =	vadd.s32 s9, v38  }
0xcc: {  	s18 =	simm.s32 $0xB;
	v35 =	vor.u32 v1, v35;
	v43 =	vadd.s32 s16, v38  }
0xcd: {  	s29 =	simm.s32 $0xA;
	v37 =	vor.u32 v0, v35;
	v46 =	vadd.s32 s18, v38;
	v44 =	vld.idx.msk [tilespmem:v39+s24+$0x0], $0xffff  }
0xce: {  	s30 =	simm.s32 $0x9;
	v49 =	vadd.s32 s29, v38;
	v47 =	vor.u32 s10, v37;
	v52 =	vld.idx.msk [tilespmem:v40+s24+$0x0], $0xffff  }
0xcf: {  	s17 =	simm.s32 $0x8;
	v51 =	vadd.s32 s30, v38;
	v53 =	vadd.s32 s11, v37;
	v54 =	vld.idx.msk [tilespmem:v41+s24+$0x0], $0xffff  }
0xd0: {  	s19 =	simm.s32 $0x7;
	v55 =	vadd.s32 s17, v38;
	v57 =	vadd.s32 s12, v37;
	v56 =	vld.idx.msk [tilespmem:v42+s24+$0x0], $0xffff  }
0xd1: {  	s20 =	simm.s32 $0x6;
	v58 =	vadd.s32 s19, v38;
	v59 =	vadd.s32 s9, v37;
	v39 =	vld.idx.msk [tilespmem:v43+s24+$0x0], $0xffff  }
0xd2: {  	v45 =	vadd.s32 s20, v38;
	s9 =	simm.s32 $0x5;
	v48 =	vadd.s32 s16, v37;
	v40 =	vld.idx.msk [tilespmem:v46+s24+$0x0], $0xffff  }
0xd3: {  	s10 =	simm.s32 $0x4;
	v50 =	vadd.s32 s18, v37;
	v46 =	vadd.s32 s9, v38;
	v41 =	vld.idx.msk [tilespmem:v49+s24+$0x0], $0xffff;
	[tilespmem:v47+s25+$0x0] =	vst.idx.msk $0xffff, v44  }
0xd4: {  	s11 =	simm.s32 $0x3;
	v42 =	vld.idx.msk [tilespmem:v51+s24+$0x0], $0xffff;
	v51 =	vadd.s32 s29, v37;
	v47 =	vadd.s32 s10, v38;
	[tilespmem:v53+s25+$0x0] =	vst.idx.msk $0xffff, v52  }
0xd5: {  	s12 =	simm.s32 $0x2;
	v49 =	vadd.s32 s11, v38;
	v43 =	vld.idx.msk [tilespmem:v55+s24+$0x0], $0xffff;
	v53 =	vadd.s32 s30, v37;
	[tilespmem:v57+s25+$0x0] =	vst.idx.msk $0xffff, v54  }
0xd6: {  	s16 =	simm.s32 $0x1;
	s18 =	simm.s32 $0x10;
	v52 =	vadd.s32 s12, v38;
	v44 =	vld.idx.msk [tilespmem:v58+s24+$0x0], $0xffff;
	v54 =	vadd.s32 s17, v37;
	[tilespmem:v59+s25+$0x0] =	vst.idx.msk $0xffff, v56  }
.LBB2_6:
0xd7: {  	p0 =	slt.u32 s18, $0x60;
	v55 =	vadd.s32 s16, v38;
	v45 =	vld.idx.msk [tilespmem:v45+s24+$0x0], $0xffff;
	v56 =	vadd.s32 s19, v37;
	[tilespmem:v48+s25+$0x0] =	vst.idx.msk $0xffff, v39  }
0xd8: {  	v39 =	vor.u32 s18, v38;
	s17 =	sadd.s32 $0xF, s18;
	v48 =	vadd.s32 s20, v37;
	v46 =	vld.idx.msk [tilespmem:v46+s24+$0x0], $0xffff;
	[tilespmem:v50+s25+$0x0] =	vst.idx.msk $0xffff, v40  }
0xd9: {  	s20 =	sadd.s32 $0xE, s18;
	v40 =	vadd.s32 s17, v38;
	v50 =	vadd.s32 s9, v37;
	v47 =	vld.idx.msk [tilespmem:v47+s24+$0x0], $0xffff;
	[tilespmem:v51+s25+$0x0] =	vst.idx.msk $0xffff, v41  }
0xda: {  	s9 =	sadd.s32 $0xD, s18;
	v41 =	vadd.s32 s20, v38;
	v51 =	vadd.s32 s10, v37;
	v49 =	vld.idx.msk [tilespmem:v49+s24+$0x0], $0xffff;
	[tilespmem:v53+s25+$0x0] =	vst.idx.msk $0xffff, v42  }
0xdb: {  	s10 =	sadd.s32 $0xC, s18;
	v42 =	vadd.s32 s9, v38;
	v53 =	vadd.s32 s11, v37;
	v52 =	vld.idx.msk [tilespmem:v52+s24+$0x0], $0xffff;
	[tilespmem:v54+s25+$0x0] =	vst.idx.msk $0xffff, v43  }
0xdc: {  	s11 =	sadd.s32 $0xB, s18;
	v43 =	vadd.s32 s10, v38;
	v54 =	vld.idx.msk [tilespmem:v55+s24+$0x0], $0xffff;
	v55 =	vadd.s32 s12, v37;
	[tilespmem:v56+s25+$0x0] =	vst.idx.msk $0xffff, v44  }
0xdd: {  	v57 =	vadd.s32 s16, v37;
	s12 =	sadd.s32 $0xA, s18;
	v56 =	vadd.s32 s11, v38;
	v44 =	vld.idx.msk [tilespmem:v39+s24+$0x0], $0xffff;
	[tilespmem:v48+s25+$0x0] =	vst.idx.msk $0xffff, v45  }
0xde: {  	v58 =	vor.u32 s18, v37;
	s16 =	sadd.s32 $0x9, s18;
	v59 =	vadd.s32 s12, v38;
	v60 =	vld.idx.msk [tilespmem:v40+s24+$0x0], $0xffff;
	[tilespmem:v50+s25+$0x0] =	vst.idx.msk $0xffff, v46  }
0xdf: {  	s29 =	sadd.s32 $0x8, s18;
	v61 =	vadd.s32 s16, v38;
	v63 =	vadd.s32 s17, v37;
	v62 =	vld.idx.msk [tilespmem:v41+s24+$0x0], $0xffff;
	[tilespmem:v51+s25+$0x0] =	vst.idx.msk $0xffff, v47  }
0xe0: {  	s19 =	sadd.s32 $0x7, s18;
	v18 =	vadd.s32 s29, v38;
	v20 =	vadd.s32 s20, v37;
	v19 =	vld.idx.msk [tilespmem:v42+s24+$0x0], $0xffff;
	[tilespmem:v53+s25+$0x0] =	vst.idx.msk $0xffff, v49  }
0xe1: {  	v21 =	vadd.s32 s19, v38;
	s20 =	sadd.s32 $0x6, s18;
	v22 =	vadd.s32 s9, v37;
	v39 =	vld.idx.msk [tilespmem:v43+s24+$0x0], $0xffff;
	[tilespmem:v55+s25+$0x0] =	vst.idx.msk $0xffff, v52  }
.Ltmp3:
0xe2: {  	s9 =	sadd.s32 $0x5, s18;
	v45 =	vadd.s32 s20, v38;
	v48 =	vadd.s32 s10, v37;
	v40 =	vld.idx.msk [tilespmem:v56+s24+$0x0], $0xffff;
	[tilespmem:v57+s25+$0x0] =	vst.idx.msk $0xffff, v54;
	(pc) =	sbr.rel @p0 .LBB2_6-.Ltmp3, $4  }
0xe3: {  	s10 =	sadd.s32 $0x4, s18;
	v46 =	vadd.s32 s9, v38;
	v50 =	vadd.s32 s11, v37;
	[tilespmem:v58+s25+$0x0] =	vst.idx.msk $0xffff, v44;
	v41 =	vld.idx.msk [tilespmem:v59+s24+$0x0], $0xffff  }
0xe4: {  	s11 =	sadd.s32 $0x3, s18;
	v47 =	vadd.s32 s10, v38;
	v51 =	vadd.s32 s12, v37;
	v42 =	vld.idx.msk [tilespmem:v61+s24+$0x0], $0xffff;
	[tilespmem:v63+s25+$0x0] =	vst.idx.msk $0xffff, v60  }
0xe5: {  	s12 =	sadd.s32 $0x2, s18;
	v49 =	vadd.s32 s11, v38;
	v53 =	vadd.s32 s16, v37;
	v43 =	vld.idx.msk [tilespmem:v18+s24+$0x0], $0xffff;
	[tilespmem:v20+s25+$0x0] =	vst.idx.msk $0xffff, v62  }
0xe6: {  	s16 =	sadd.s32 $0x1, s18;
	s18 =	sadd.s32 $0x10, s18;
	v52 =	vadd.s32 s12, v38;
	v54 =	vadd.s32 s29, v37;
	v44 =	vld.idx.msk [tilespmem:v21+s24+$0x0], $0xffff;
	[tilespmem:v22+s25+$0x0] =	vst.idx.msk $0xffff, v19  }
0xe7: {  	_ =	sdelay $0x3  }
0xe8: {  	v18 =	vadd.s32 s19, v37;
	[tilespmem:v48+s25+$0x0] =	vst.idx.msk $0xffff, v39  }
0xe9: {  	v19 =	vadd.s32 s16, v38;
	v20 =	vld.idx.msk [tilespmem:v45+s24+$0x0], $0xffff;
	v21 =	vadd.s32 s20, v37;
	[tilespmem:v50+s25+$0x0] =	vst.idx.msk $0xffff, v40  }
0xea: {  	v22 =	vld.idx.msk [tilespmem:v46+s24+$0x0], $0xffff;
	v62 =	vadd.s32 s9, v37;
	[tilespmem:v51+s25+$0x0] =	vst.idx.msk $0xffff, v41  }
0xeb: {  	v63 =	vld.idx.msk [tilespmem:v47+s24+$0x0], $0xffff;
	v48 =	vadd.s32 s10, v37;
	[tilespmem:v53+s25+$0x0] =	vst.idx.msk $0xffff, v42  }
0xec: {  	v50 =	vld.idx.msk [tilespmem:v49+s24+$0x0], $0xffff;
	v51 =	vadd.s32 s11, v37;
	[tilespmem:v54+s25+$0x0] =	vst.idx.msk $0xffff, v43  }
0xed: {  	v52 =	vld.idx.msk [tilespmem:v52+s24+$0x0], $0xffff;
	v53 =	vadd.s32 s12, v37;
	[tilespmem:v18+s25+$0x0] =	vst.idx.msk $0xffff, v44  }
0xee: {  	v18 =	vld.idx.msk [tilespmem:v19+s24+$0x0], $0xffff;
	v19 =	vadd.s32 s16, v37;
	[tilespmem:v21+s25+$0x0] =	vst.idx.msk $0xffff, v20  }
0xef: {  	[tilespmem:v62+s25+$0x0] =	vst.idx.msk $0xffff, v22;
	v20 =	vor.u32 v2, v36  }
0xf0: {  	[tilespmem:v48+s25+$0x0] =	vst.idx.msk $0xffff, v63;
	v21 =	vor.u32 v3, v36  }
0xf1: {  	v22 =	vor.u32 v4, v36;
	[tilespmem:v51+s25+$0x0] =	vst.idx.msk $0xffff, v50  }
0xf2: {  	v54 =	vor.u32 v5, v36;
	[tilespmem:v53+s25+$0x0] =	vst.idx.msk $0xffff, v52  }
0xf3: {  	[tilespmem:v19+s25+$0x0] =	vst.idx.msk $0xffff, v18;
	v18 =	vor.u32 v6, v36  }
0xf4: {  	v55 =	vor.u32 v7, v36;
	v19 =	vld.idx.msk [tilespmem:v20+s24+$0x0], $0xffff;
	v20 =	vor.u32 v2, v35  }
0xf5: {  	v56 =	vor.u32 v3, v35;
	v57 =	vor.u32 v8, v36;
	v21 =	vld.idx.msk [tilespmem:v21+s24+$0x0], $0xffff  }
0xf6: {  	v58 =	vor.u32 v4, v35;
	v59 =	vor.u32 v9, v36;
	v22 =	vld.idx.msk [tilespmem:v22+s24+$0x0], $0xffff  }
0xf7: {  	v60 =	vor.u32 v5, v35;
	v61 =	vor.u32 v10, v36;
	v37 =	vld.idx.msk [tilespmem:v54+s24+$0x0], $0xffff  }
0xf8: {  	v62 =	vor.u32 v6, v35;
	v63 =	vor.u32 v11, v36;
	v18 =	vld.idx.msk [tilespmem:v18+s24+$0x0], $0xffff  }
0xf9: {  	v48 =	vor.u32 v12, v36;
	[tilespmem:v20+s25+$0x0] =	vst.idx.msk $0xffff, v19;
	v19 =	vld.idx.msk [tilespmem:v55+s24+$0x0], $0xffff;
	v20 =	vor.u32 v7, v35  }
0xfa: {  	v49 =	vor.u32 v8, v35;
	v50 =	vor.u32 v13, v36;
	[tilespmem:v56+s25+$0x0] =	vst.idx.msk $0xffff, v21;
	v21 =	vld.idx.msk [tilespmem:v57+s24+$0x0], $0xffff  }
0xfb: {  	v51 =	vor.u32 v9, v35;
	v52 =	vor.u32 v14, v36;
	[tilespmem:v58+s25+$0x0] =	vst.idx.msk $0xffff, v22;
	v22 =	vld.idx.msk [tilespmem:v59+s24+$0x0], $0xffff  }
0xfc: {  	v53 =	vld.idx.msk [tilespmem:v61+s24+$0x0], $0xffff;
	v54 =	vor.u32 v10, v35;
	[tilespmem:v60+s25+$0x0] =	vst.idx.msk $0xffff, v37;
	v55 =	vor.u32 v15, v36  }
0xfd: {  	v56 =	vor.u32 v11, v35;
	v57 =	vor.u32 v16, v36;
	[tilespmem:v62+s25+$0x0] =	vst.idx.msk $0xffff, v18;
	v18 =	vld.idx.msk [tilespmem:v63+s24+$0x0], $0xffff  }
0xfe: {  	v58 =	vor.u32 v17, v36;
	[tilespmem:v20+s25+$0x0] =	vst.idx.msk $0xffff, v19;
	v19 =	vld.idx.msk [tilespmem:v48+s24+$0x0], $0xffff;
	v20 =	vor.u32 v12, v35  }
0xff: {  	v59 =	vor.u32 v13, v35;
	[tilespmem:v49+s25+$0x0] =	vst.idx.msk $0xffff, v21;
	v21 =	vld.idx.msk [tilespmem:v50+s24+$0x0], $0xffff  }
0x100: {  	v60 =	vor.u32 v14, v35;
	[tilespmem:v51+s25+$0x0] =	vst.idx.msk $0xffff, v22;
	v22 =	vld.idx.msk [tilespmem:v52+s24+$0x0], $0xffff  }
0x101: {  	[tilespmem:v54+s25+$0x0] =	vst.idx.msk $0xffff, v53;
	v62 =	vor.u32 v15, v35;
	v61 =	vld.idx.msk [tilespmem:v55+s24+$0x0], $0xffff  }
0x102: {  	s4 =	sadd.s32 $0x1, s4;
	v63 =	vor.u32 v16, v35;
	[tilespmem:v56+s25+$0x0] =	vst.idx.msk $0xffff, v18;
	v18 =	vld.idx.msk [tilespmem:v57+s24+$0x0], $0xffff  }
0x103: {  	p0 =	sne.s32 s4, $0x19;
	[tilespmem:v20+s25+$0x0] =	vst.idx.msk $0xffff, v19;
	v19 =	vld.idx.msk [tilespmem:v58+s24+$0x0], $0xffff;
	v20 =	vor.u32 v17, v35  }
.Ltmp4:
0x104: {  	[tilespmem:v59+s25+$0x0] =	vst.idx.msk $0xffff, v21;
	(pc) =	sbr.rel @p0 .LBB2_5-.Ltmp4, $4  }
0x105: {  	[tilespmem:v60+s25+$0x0] =	vst.idx.msk $0xffff, v22  }
0x106: {  	[tilespmem:v62+s25+$0x0] =	vst.idx.msk $0xffff, v61  }
0x107: {  	[tilespmem:v63+s25+$0x0] =	vst.idx.msk $0xffff, v18  }
0x108: {  	[tilespmem:v20+s25+$0x0] =	vst.idx.msk $0xffff, v19  }
0x109: {  	s2 =	sshll.u32 s2, $0x4  }
0x10a: {  	p0 =	seq.s32 s5, $0x7F;
	s2 =	sadd.s32 s6, s2  }
0x10b: {  	[hbm4b:s2+s7] =	stream.linear.scatter [tilespmem:s25], [sflag:$0x3], $0xC800, $0x38;
	[tilespmem:$0x1F980] =	vst v63  }
0x10c: {  	s2 =	sadd.s32 @!p0 s3, s13  }
0x10d: {  	s2 =	sshrl.u32 @!p0 s2, $0x3  }
0x10e: {  	s9 =	simm.s32 @!p0 $0x0;
	s10 =	simm.s32 @!p0 $0x6280;
	s4 =	sadd.s32 @!p0 s0, s2  }
0x10f: {  	[tilespmem:s10], [sflag:$0x1] =	stream.linear.gather @!p0 [hbm4b:s4+s9], $0x190, $0x38;
	[tilespmem:$0x1F980] =	vst v63  }
0x110: {  	s2 =	sadd.s32 @!p0 s1, s2;
	s4 =	simm.s32 @!p0 $0x6600  }
0x111: {  	[tilespmem:s4], [sflag:$0x1] =	stream.linear.gather @!p0 [hbm4b:s2+s9], $0x190, $0x38;
	[tilespmem:$0x1F980] =	vst v63  }
0x112: {  	_ =	swait.ge [sflag:s26], $0x190  }
0x113: {  	[sflag:s26] =	ssyncset.done $0x0  }
0x114: {  	[sflag:s26] =	ssyncadd.s32 $0xFFFFFE70  }
0x115: {  	_ =	swait.ge [sflag:s26], $0x190  }
0x116: {  	[sflag:s26] =	ssyncset.done $0x0  }
0x117: {  	s4 =	simm.s32 @!p1 $0x4;
	[sflag:s26] =	ssyncadd.s32 $0xFFFFFE70  }
0x118: {  	_ =	swait.ge @!p1 [sflag:s4], $0xC800  }
0x119: {  	v61 =	vld [tilespmem:$0x1FFD0]  }
0x11a: {  	s18 =	simm.s32 $0x0;
	[sflag:s4] =	ssyncset.done @!p1 $0x0;
	v62 =	vld [tilespmem:$0x1FFE0]  }
0x11b: {  	s2 =	sadd.s32 s3, s14;
	v63 =	vld [tilespmem:$0x1FFF0];
	[sflag:s4] =	ssyncadd.s32 @!p1 $0xFFFF3800;
	s4 =	simm.s32 $0x0  }
.LBB2_9:
0x11c: {  	s9 =	sshll.u32 s18, $0x4  }
0x11d: {  	v18 =	vld [tilespmem:s9+$0x6410];
	_ =	sdelay $0x3  }
0x11e: {  	v19 =	vld [tilespmem:s9+$0x6790]  }
0x11f: {  	v18 =	vadd.s32 $0x20, v18  }
0x120: {  	vm0 =	vgt.s32 v18, $0x0  }
0x121: {  	v18 =	vnsel vm0, $0x0, v18  }
0x122: {  	v18 =	vmin.u32 v18, $0x40  }
0x123: {  	v19 =	vshll.u32 v19, $0x7;
	v18 =	vshll.u32 v18, $0x8  }
0x124: {  	v35 =	vadd.s32 v19, v18  }
0x125: {  	v38 =	vor.u32 v0, v35  }
0x126: {  	s10 =	simm.s32 $0xF;
	v18 =	vor.u32 s4, v38  }
0x127: {  	s11 =	simm.s32 $0xE;
	v19 =	vadd.s32 s10, v38  }
0x128: {  	s12 =	simm.s32 $0xD;
	v20 =	vmov s9;
	v21 =	vadd.s32 s11, v38  }
0x129: {  	s16 =	simm.s32 $0xC;
	v20 =	vshll.u32 v20, $0x7;
	v22 =	vadd.s32 s12, v38  }
0x12a: {  	s17 =	simm.s32 $0xB;
	v36 =	vor.u32 v1, v20;
	v20 =	vadd.s32 s16, v38  }
0x12b: {  	s19 =	simm.s32 $0xA;
	v37 =	vadd.s32 v61, v36;
	v40 =	vadd.s32 s17, v38;
	v18 =	vld.idx.msk [tilespmem:v18+s24+$0x0], $0xffff  }
0x12c: {  	s29 =	simm.s32 $0x9;
	v41 =	vor.u32 s4, v37;
	v42 =	vadd.s32 s19, v38;
	v19 =	vld.idx.msk [tilespmem:v19+s24+$0x0], $0xffff  }
0x12d: {  	s30 =	simm.s32 $0x8;
	v44 =	vadd.s32 s10, v37;
	v43 =	vadd.s32 s29, v38;
	v21 =	vld.idx.msk [tilespmem:v21+s24+$0x0], $0xffff  }
0x12e: {  	s20 =	simm.s32 $0x7;
	v54 =	vadd.s32 s11, v37;
	v52 =	vadd.s32 s30, v38;
	v22 =	vld.idx.msk [tilespmem:v22+s24+$0x0], $0xffff  }
0x12f: {  	s9 =	simm.s32 $0x6;
	v55 =	vadd.s32 s20, v38;
	v39 =	vld.idx.msk [tilespmem:v20+s24+$0x0], $0xffff;
	v20 =	vadd.s32 s12, v37  }
0x130: {  	v48 =	vadd.s32 s16, v37;
	s10 =	simm.s32 $0x5;
	v45 =	vadd.s32 s9, v38;
	v40 =	vld.idx.msk [tilespmem:v40+s24+$0x0], $0xffff  }
0x131: {  	v50 =	vadd.s32 s17, v37;
	s11 =	simm.s32 $0x4;
	v46 =	vadd.s32 s10, v38;
	[tilespmem:v41+s25+$0x0] =	vst.idx.msk $0xffff, v18;
	v41 =	vld.idx.msk [tilespmem:v42+s24+$0x0], $0xffff  }
0x132: {  	v51 =	vadd.s32 s19, v37;
	v47 =	vadd.s32 s11, v38;
	s12 =	simm.s32 $0x3;
	v42 =	vld.idx.msk [tilespmem:v43+s24+$0x0], $0xffff;
	[tilespmem:v44+s25+$0x0] =	vst.idx.msk $0xffff, v19  }
0x133: {  	v53 =	vadd.s32 s29, v37;
	s16 =	simm.s32 $0x2;
	v49 =	vadd.s32 s12, v38;
	v43 =	vld.idx.msk [tilespmem:v52+s24+$0x0], $0xffff;
	[tilespmem:v54+s25+$0x0] =	vst.idx.msk $0xffff, v21  }
0x134: {  	s29 =	simm.s32 $0x1;
	s19 =	simm.s32 $0x10;
	v52 =	vadd.s32 s16, v38;
	v44 =	vld.idx.msk [tilespmem:v55+s24+$0x0], $0xffff;
	v54 =	vadd.s32 s30, v37;
	[tilespmem:v20+s25+$0x0] =	vst.idx.msk $0xffff, v22  }
.LBB2_10:
0x135: {  	p1 =	slt.u32 s19, $0x60;
	v18 =	vadd.s32 s29, v38;
	v19 =	vld.idx.msk [tilespmem:v45+s24+$0x0], $0xffff;
	v20 =	vadd.s32 s20, v37;
	[tilespmem:v48+s25+$0x0] =	vst.idx.msk $0xffff, v39  }
0x136: {  	v21 =	vor.u32 s19, v38;
	s17 =	sadd.s32 $0xF, s19;
	v39 =	vadd.s32 s9, v37;
	v22 =	vld.idx.msk [tilespmem:v46+s24+$0x0], $0xffff;
	[tilespmem:v50+s25+$0x0] =	vst.idx.msk $0xffff, v40  }
0x137: {  	s9 =	sadd.s32 $0xE, s19;
	v40 =	vadd.s32 s17, v38;
	v46 =	vadd.s32 s10, v37;
	v45 =	vld.idx.msk [tilespmem:v47+s24+$0x0], $0xffff;
	[tilespmem:v51+s25+$0x0] =	vst.idx.msk $0xffff, v41  }
0x138: {  	v48 =	vadd.s32 s11, v37;
	s10 =	sadd.s32 $0xD, s19;
	v41 =	vadd.s32 s9, v38;
	v47 =	vld.idx.msk [tilespmem:v49+s24+$0x0], $0xffff;
	[tilespmem:v53+s25+$0x0] =	vst.idx.msk $0xffff, v42  }
0x139: {  	s11 =	sadd.s32 $0xC, s19;
	v50 =	vadd.s32 s12, v37;
	v42 =	vadd.s32 s10, v38;
	v49 =	vld.idx.msk [tilespmem:v52+s24+$0x0], $0xffff;
	[tilespmem:v54+s25+$0x0] =	vst.idx.msk $0xffff, v43  }
0x13a: {  	s12 =	sadd.s32 $0xB, s19;
	v51 =	vadd.s32 s16, v37;
	v43 =	vadd.s32 s11, v38;
	v18 =	vld.idx.msk [tilespmem:v18+s24+$0x0], $0xffff;
	[tilespmem:v20+s25+$0x0] =	vst.idx.msk $0xffff, v44  }
0x13b: {  	s16 =	sadd.s32 $0xA, s19;
	v44 =	vadd.s32 s29, v37;
	v20 =	vld.idx.msk [tilespmem:v21+s24+$0x0], $0xffff;
	v21 =	vadd.s32 s12, v38;
	[tilespmem:v39+s25+$0x0] =	vst.idx.msk $0xffff, v19  }
0x13c: {  	v52 =	vadd.s32 s16, v38;
	s29 =	sadd.s32 $0x9, s19;
	v19 =	vor.u32 s19, v37;
	v53 =	vld.idx.msk [tilespmem:v40+s24+$0x0], $0xffff;
	[tilespmem:v46+s25+$0x0] =	vst.idx.msk $0xffff, v22  }
0x13d: {  	s30 =	sadd.s32 $0x8, s19;
	v55 =	vadd.s32 s17, v37;
	v22 =	vadd.s32 s29, v38;
	v54 =	vld.idx.msk [tilespmem:v41+s24+$0x0], $0xffff;
	[tilespmem:v48+s25+$0x0] =	vst.idx.msk $0xffff, v45  }
0x13e: {  	s20 =	sadd.s32 $0x7, s19;
	v56 =	vadd.s32 s30, v38;
	v58 =	vadd.s32 s9, v37;
	v57 =	vld.idx.msk [tilespmem:v42+s24+$0x0], $0xffff;
	[tilespmem:v50+s25+$0x0] =	vst.idx.msk $0xffff, v47  }
0x13f: {  	v59 =	vadd.s32 s20, v38;
	s9 =	sadd.s32 $0x6, s19;
	v60 =	vadd.s32 s10, v37;
	v39 =	vld.idx.msk [tilespmem:v43+s24+$0x0], $0xffff;
	[tilespmem:v51+s25+$0x0] =	vst.idx.msk $0xffff, v49  }
.Ltmp5:
0x140: {  	s10 =	sadd.s32 $0x5, s19;
	v45 =	vadd.s32 s9, v38;
	v48 =	vadd.s32 s11, v37;
	v40 =	vld.idx.msk [tilespmem:v21+s24+$0x0], $0xffff;
	[tilespmem:v44+s25+$0x0] =	vst.idx.msk $0xffff, v18;
	(pc) =	sbr.rel @p1 .LBB2_10-.Ltmp5, $4  }
0x141: {  	v46 =	vadd.s32 s10, v38;
	s11 =	sadd.s32 $0x4, s19;
	v50 =	vadd.s32 s12, v37;
	[tilespmem:v19+s25+$0x0] =	vst.idx.msk $0xffff, v20;
	v41 =	vld.idx.msk [tilespmem:v52+s24+$0x0], $0xffff  }
0x142: {  	s12 =	sadd.s32 $0x3, s19;
	v47 =	vadd.s32 s11, v38;
	v51 =	vadd.s32 s16, v37;
	v42 =	vld.idx.msk [tilespmem:v22+s24+$0x0], $0xffff;
	[tilespmem:v55+s25+$0x0] =	vst.idx.msk $0xffff, v53  }
0x143: {  	s16 =	sadd.s32 $0x2, s19;
	v49 =	vadd.s32 s12, v38;
	v53 =	vadd.s32 s29, v37;
	v43 =	vld.idx.msk [tilespmem:v56+s24+$0x0], $0xffff;
	[tilespmem:v58+s25+$0x0] =	vst.idx.msk $0xffff, v54  }
0x144: {  	v52 =	vadd.s32 s16, v38;
	s29 =	sadd.s32 $0x1, s19;
	s19 =	sadd.s32 $0x10, s19;
	v54 =	vadd.s32 s30, v37;
	v44 =	vld.idx.msk [tilespmem:v59+s24+$0x0], $0xffff;
	[tilespmem:v60+s25+$0x0] =	vst.idx.msk $0xffff, v57  }
0x145: {  	_ =	sdelay $0x3  }
0x146: {  	v18 =	vadd.s32 s20, v37;
	[tilespmem:v48+s25+$0x0] =	vst.idx.msk $0xffff, v39  }
0x147: {  	v19 =	vadd.s32 s29, v38;
	v20 =	vld.idx.msk [tilespmem:v45+s24+$0x0], $0xffff;
	v21 =	vadd.s32 s9, v37;
	[tilespmem:v50+s25+$0x0] =	vst.idx.msk $0xffff, v40  }
0x148: {  	v22 =	vld.idx.msk [tilespmem:v46+s24+$0x0], $0xffff;
	v59 =	vadd.s32 s10, v37;
	[tilespmem:v51+s25+$0x0] =	vst.idx.msk $0xffff, v41  }
0x149: {  	v60 =	vld.idx.msk [tilespmem:v47+s24+$0x0], $0xffff;
	v48 =	vadd.s32 s11, v37;
	[tilespmem:v53+s25+$0x0] =	vst.idx.msk $0xffff, v42  }
0x14a: {  	v49 =	vld.idx.msk [tilespmem:v49+s24+$0x0], $0xffff;
	v50 =	vadd.s32 s12, v37;
	[tilespmem:v54+s25+$0x0] =	vst.idx.msk $0xffff, v43  }
0x14b: {  	v51 =	vld.idx.msk [tilespmem:v52+s24+$0x0], $0xffff;
	v52 =	vadd.s32 s16, v37;
	[tilespmem:v18+s25+$0x0] =	vst.idx.msk $0xffff, v44  }
0x14c: {  	v18 =	vld.idx.msk [tilespmem:v19+s24+$0x0], $0xffff;
	v19 =	vadd.s32 s29, v37;
	[tilespmem:v21+s25+$0x0] =	vst.idx.msk $0xffff, v20  }
0x14d: {  	[tilespmem:v59+s25+$0x0] =	vst.idx.msk $0xffff, v22;
	v20 =	vor.u32 v2, v35  }
0x14e: {  	[tilespmem:v48+s25+$0x0] =	vst.idx.msk $0xffff, v60  }
0x14f: {  	[tilespmem:v50+s25+$0x0] =	vst.idx.msk $0xffff, v49  }
0x150: {  	v22 =	vadd.s32 v62, v36;
	[tilespmem:v52+s25+$0x0] =	vst.idx.msk $0xffff, v51  }
0x151: {  	[tilespmem:v19+s25+$0x0] =	vst.idx.msk $0xffff, v18;
	v18 =	vand.u32 $0x7FFFFF80, v22  }
0x152: {  	v20 =	vld.idx.msk [tilespmem:v20+s24+$0x0], $0xffff;
	v18 =	vor.u32 v2, v18  }
0x153: {  	v21 =	vor.u32 v3, v35;
	_ =	sdelay $0x2  }
0x154: {  	v19 =	vadd.s32 v63, v36;
	v38 =	vld [tilespmem:$0x1FFB0]  }
0x155: {  	v19 =	vand.u32 $0x7FFFFF80, v19;
	[tilespmem:v18+s25+$0x0] =	vst.idx.msk $0xffff, v20;
	v20 =	vld [tilespmem:$0x1FFC0]  }
0x156: {  	v21 =	vld.idx.msk [tilespmem:v21+s24+$0x0], $0xffff;
	v19 =	vor.u32 v3, v19  }
0x157: {  	v22 =	vor.u32 v4, v35  }
0x158: {  	v53 =	vor.u32 v5, v35  }
0x159: {  	v54 =	vor.u32 v6, v35  }
0x15a: {  	v38 =	vadd.s32 v38, v36;
	v20 =	vadd.s32 v20, v36  }
0x15b: {  	v18 =	vand.u32 $0x7FFFFF80, v38;
	[tilespmem:v19+s25+$0x0] =	vst.idx.msk $0xffff, v21;
	v19 =	vand.u32 $0x7FFFFF80, v20;
	v20 =	vor.u32 v8, v35  }
0x15c: {  	v56 =	vor.u32 v9, v35;
	v21 =	vld.idx.msk [tilespmem:v22+s24+$0x0], $0xffff;
	v22 =	vadd.s32 v23, v36;
	v18 =	vor.u32 v4, v18  }
0x15d: {  	v58 =	vor.u32 v10, v35;
	v37 =	vld.idx.msk [tilespmem:v53+s24+$0x0], $0xffff;
	v22 =	vand.u32 $0x7FFFFF80, v22;
	v19 =	vor.u32 v5, v19  }
0x15e: {  	v55 =	vor.u32 v7, v35;
	v59 =	vadd.s32 v25, v36;
	v39 =	vld.idx.msk [tilespmem:v54+s24+$0x0], $0xffff;
	v22 =	vor.u32 v6, v22  }
0x15f: {  	v57 =	vadd.s32 v24, v36;
	v60 =	vadd.s32 v26, v36;
	v43 =	vand.u32 $0x7FFFFF80, v59  }
0x160: {  	v48 =	vadd.s32 v27, v36;
	v44 =	vand.u32 $0x7FFFFF80, v60;
	v43 =	vor.u32 v8, v43;
	v20 =	vld.idx.msk [tilespmem:v20+s24+$0x0], $0xffff  }
0x161: {  	v49 =	vand.u32 $0x7FFFFF80, v48;
	[tilespmem:v18+s25+$0x0] =	vst.idx.msk $0xffff, v21;
	v18 =	vld.idx.msk [tilespmem:v56+s24+$0x0], $0xffff;
	v21 =	vor.u32 v9, v44  }
0x162: {  	v41 =	vand.u32 $0x7FFFFF80, v57;
	v50 =	vor.u32 v10, v49;
	[tilespmem:v19+s25+$0x0] =	vst.idx.msk $0xffff, v37;
	v19 =	vld.idx.msk [tilespmem:v58+s24+$0x0], $0xffff  }
0x163: {  	v41 =	vor.u32 v7, v41;
	v38 =	vld.idx.msk [tilespmem:v55+s24+$0x0], $0xffff;
	[tilespmem:v22+s25+$0x0] =	vst.idx.msk $0xffff, v39;
	v22 =	vor.u32 v11, v35  }
0x164: {  	v51 =	vor.u32 v12, v35;
	v52 =	vor.u32 v13, v35  }
0x165: {  	v53 =	vadd.s32 v30, v36;
	[tilespmem:v43+s25+$0x0] =	vst.idx.msk $0xffff, v20;
	v20 =	vadd.s32 v28, v36  }
0x166: {  	[tilespmem:v21+s25+$0x0] =	vst.idx.msk $0xffff, v18;
	v21 =	vor.u32 v14, v35;
	v18 =	vand.u32 $0x7FFFFF80, v20;
	v20 =	vadd.s32 v29, v36  }
0x167: {  	v54 =	vor.u32 v16, v35;
	[tilespmem:v50+s25+$0x0] =	vst.idx.msk $0xffff, v19;
	v19 =	vand.u32 $0x7FFFFF80, v20;
	v20 =	vor.u32 v15, v35  }
0x168: {  	v55 =	vadd.s32 v31, v36;
	[tilespmem:v41+s25+$0x0] =	vst.idx.msk $0xffff, v38;
	v22 =	vld.idx.msk [tilespmem:v22+s24+$0x0], $0xffff;
	v18 =	vor.u32 v11, v18  }
0x169: {  	v38 =	vld.idx.msk [tilespmem:v51+s24+$0x0], $0xffff;
	v56 =	vor.u32 v17, v35;
	v37 =	vand.u32 $0x7FFFFF80, v53;
	v19 =	vor.u32 v12, v19  }
0x16a: {  	v57 =	vadd.s32 v32, v36;
	v41 =	vand.u32 $0x7FFFFF80, v55;
	v39 =	vld.idx.msk [tilespmem:v52+s24+$0x0], $0xffff;
	v37 =	vor.u32 v13, v37  }
0x16b: {  	v42 =	vand.u32 $0x7FFFFF80, v57;
	v41 =	vor.u32 v14, v41;
	v58 =	vadd.s32 v33, v36;
	v21 =	vld.idx.msk [tilespmem:v21+s24+$0x0], $0xffff  }
0x16c: {  	v42 =	vor.u32 v15, v42;
	v59 =	vadd.s32 v34, v36;
	v43 =	vand.u32 $0x7FFFFF80, v58;
	v20 =	vld.idx.msk [tilespmem:v20+s24+$0x0], $0xffff  }
0x16d: {  	s18 =	sadd.s32 $0x1, s18;
	v36 =	vand.u32 $0x7FFFFF80, v59;
	[tilespmem:v18+s25+$0x0] =	vst.idx.msk $0xffff, v22;
	v18 =	vld.idx.msk [tilespmem:v54+s24+$0x0], $0xffff;
	v22 =	vor.u32 v16, v43  }
0x16e: {  	p1 =	sne.s32 s18, $0x19;
	v60 =	vor.u32 v17, v36;
	[tilespmem:v19+s25+$0x0] =	vst.idx.msk $0xffff, v38;
	v19 =	vld.idx.msk [tilespmem:v56+s24+$0x0], $0xffff  }
.Ltmp6:
0x16f: {  	[tilespmem:v37+s25+$0x0] =	vst.idx.msk $0xffff, v39;
	(pc) =	sbr.rel @p1 .LBB2_9-.Ltmp6, $4  }
0x170: {  	[tilespmem:v41+s25+$0x0] =	vst.idx.msk $0xffff, v21  }
0x171: {  	[tilespmem:v42+s25+$0x0] =	vst.idx.msk $0xffff, v20  }
0x172: {  	[tilespmem:v22+s25+$0x0] =	vst.idx.msk $0xffff, v18  }
0x173: {  	[tilespmem:v60+s25+$0x0] =	vst.idx.msk $0xffff, v19  }
.Ltmp7:
0x174: {  	(pc) =	sbr.rel @p0 .LBB2_14-.Ltmp7, $4  }
0x175: {  	s2 =	sshll.u32 s2, $0x4  }
0x176: {  	s2 =	sand.u32 $0x1FFFFF00, s2  }
0x177: {  	s2 =	sadd.s32 s6, s2  }
0x178: {  	[hbm4b:s2+s7] =	stream.linear.scatter [tilespmem:s28], [sflag:$0x4], $0xC800, $0x38;
	[tilespmem:$0x1F980] =	vst v63  }
0x179: {  	s2 =	sadd.s32 s3, s15  }
.Ltmp8:
0x17a: {  	s2 =	sshrl.u32 s2, $0x3;
	(pc) =	sbr.rel .LBB2_4-.Ltmp8, $4  }
0x17b: {  	s30 =	sadd.s32 s0, s2  }
0x17c: {  	[tilespmem:s21], [sflag:$0x2] =	stream.linear.gather [hbm4b:s30+s7], $0x190, $0x38;
	[tilespmem:$0x1F980] =	vst v63  }
0x17d: {  	s5 =	sadd.s32 $0x1, s5;
	s2 =	sadd.s32 s1, s2  }
0x17e: {  	[tilespmem:s22], [sflag:$0x2] =	stream.linear.gather [hbm4b:s2+s7], $0x190, $0x38;
	[tilespmem:$0x1F980] =	vst v63  }
.LBB2_15:
0x17f: {  	_ =	sfence.sel $0x180000  }
0x180: {  	[bflag:$0x0] =	sbarrier.arrive $0xFFFF  }
0x181: {  	_ =	strace $0x90000047  }
0x182: {  	s0 =	stileid.u32;
	[bflag:$0x2] =	sbarrier.arrive $0xFFFF  }
0x183: {  	p0 =	sne.s32 s0, $0x0;
	s0 =	rddreg [dreg:$0x5]  }
0x184: {  	s0 =	sadd.s32 @!p0 $0x100000, s0  }
0x185: {  	[sflag:s0] =	ssyncadd.tile.s32 @!p0 $0x1;
	_ =	shalt  }
.Lfunc_end2:
_tile_overlayer_lowered:
.L_overlay_start_2:
0x186: {  	(tag) =	ssettag $0x2  }
0x187: {  	s0 =	rddreg [dreg:$0x0];
	s2 =	stileid.u32  }
0x188: {  	s1 =	rddreg [dreg:$0x1];
	p0 =	sne.s32 s2, $0x0  }
0x189: {  	s3 =	rddreg [dreg:$0x2];
	[bflag:$0x3] =	sbarrier.arrive $0xFFFF;
	s2 =	simm.s32 @!p0 $0x1C05  }
0x18a: {  	[timem:s3], [sflag:s2] =	dma.local @!p0 [hbm:s0], s1  }
0x18b: {  	s0 =	simm.s32 @!p0 $0x5  }
0x18c: {  	_ =	swait.ge @!p0 [sflag:s0], s1  }
0x18d: {  	s1 =	ssub.s32 @!p0 $0x0, s1;
	[sflag:s0] =	ssyncset.done @!p0 $0x0  }
0x18e: {  	[sflag:s0] =	ssyncadd.s32 @!p0 s1  }
0x18f: {  	[bflag:$0x3] =	sbarrier.arrive $0xFFFF  }
0x190: {  	_ =	shalt  }

</sc_bundles>
